<compile_context>
chip_gen: v7x
topology: tpu7x:2x2x1
jax: 0.10.2.dev20260603
libtpu: 0.0.44.dev20260713+nightly
codegen_flags: <defaults>
</compile_context>

<pallas_src>
import functools

import jax
import jax.numpy as jnp
from jax import lax
from jax.experimental import pallas as pl
from jax.experimental.pallas import tpu as pltpu
from jax.experimental.pallas import tpu_sc as plsc

N_ANCHORS = 76725
N_PAD = 76800
ROWS = 600
TOP_K = 1000
MAX_DET = 100
IOU_THR = 0.5
SCORE_THR = 0.5
IMG_W = 640.0
IMG_H = 640.0
NEG_INF = float("-inf")
INT_MIN = -2147483648

N_TILES = 16
CHUNK = N_PAD // N_TILES
N_FIELDS = 6
COMPACT = 1024


def _decode_kernel(pred_ref, anc_ref, vals_out, key_out, thr_out):
    f32 = jnp.float32
    i32 = jnp.int32

    ridx = lax.broadcasted_iota(i32, (ROWS, 128), 0)
    cidx = lax.broadcasted_iota(i32, (ROWS, 128), 1)
    gidx = ridx * 128 + cidx

    c0 = pred_ref[4]
    c1 = pred_ref[5]
    score = jnp.maximum(c0, c1) + 0.0
    idf = (c1 > c0).astype(f32)

    ibits = lax.bitcast_convert_type(score, i32)
    key = jnp.where(ibits >= 0, ibits, ibits ^ jnp.int32(0x7FFFFFFF))
    key = jnp.where(gidx < N_ANCHORS, key, jnp.int32(INT_MIN))

    b0 = pred_ref[0] * f32(0.1)
    b1 = pred_ref[1] * f32(0.1)
    b2 = pred_ref[2] * f32(0.2)
    b3 = pred_ref[3] * f32(0.2)
    ax = anc_ref[0]
    ay = anc_ref[1]
    aw = anc_ref[2]
    ah = anc_ref[3]
    x = b0 * aw + ax
    y = b1 * ah + ay
    w = jnp.exp(b2) * aw
    h = jnp.exp(b3) * ah
    vals_out[0] = jnp.clip(x - w / 2.0, 0.0, IMG_W)
    vals_out[1] = jnp.clip(y - h / 2.0, 0.0, IMG_H)
    vals_out[2] = jnp.clip(x + w / 2.0, 0.0, IMG_W)
    vals_out[3] = jnp.clip(y + h / 2.0, 0.0, IMG_H)
    vals_out[4] = score
    vals_out[5] = idf
    key_out[...] = key

    def count_ge(t):
        return jnp.sum((key >= t).astype(i32))

    cur0 = jnp.where(count_ge(jnp.int32(0)) >= TOP_K,
                     jnp.int32(0), jnp.int32(INT_MIN))

    def bit_step(t, cur):
        cand = cur + (jnp.int32(1) << (jnp.int32(30) - t))
        return jnp.where(count_ge(cand) >= TOP_K, cand, cur)

    t_key = lax.fori_loop(0, 31, bit_step, cur0)
    m_gt = jnp.sum((key > t_key).astype(i32))
    r_need = TOP_K - m_gt
    eq = key == t_key

    def idx_step(_, lohi):
        lo, hi = lohi
        mid = (lo + hi) // 2
        cnt = jnp.sum((eq & (gidx <= mid)).astype(i32))
        p = cnt >= r_need
        return jnp.where(p, lo, mid + 1), jnp.where(p, mid, hi)

    lo, _ = lax.fori_loop(0, 17, idx_step,
                          (jnp.int32(0), jnp.int32(N_PAD - 1)))

    trow = lax.broadcasted_iota(i32, (8, 128), 0)
    thr_out[...] = jnp.where(trow == 0, t_key, lo)


def _compact_kernel(key_hbm, vals_hbm, t_hbm, c_hbm,
                    o0, o1, o2, o3, o4, o5,
                    key_v, vals_v, cl_v, t_v, c_v, cnt_v, allcnt_v,
                    shared_cnt, sem):
    i32 = jnp.int32
    wid = lax.axis_index("s")
    base = wid * CHUNK
    outs = (o0, o1, o2, o3, o4, o5)

    cps = [pltpu.async_copy(key_hbm.at[pl.ds(base, CHUNK)], key_v, sem)]
    for jf in range(N_FIELDS):
        cps.append(
            pltpu.async_copy(vals_hbm.at[pl.ds(jf * N_PAD + base, CHUNK)],
                             vals_v.at[pl.ds(jf * CHUNK, CHUNK)], sem))
    cps.append(pltpu.async_copy(t_hbm, t_v, sem))
    cps.append(pltpu.async_copy(c_hbm, c_v, sem))
    for cp in cps:
        cp.wait()

    tvec = t_v[...]
    cvec = c_v[...]

    def body(i, n):
        k = key_v[pl.ds(i * 16, 16)]
        gi = base + i * 16 + lax.iota(i32, 16)
        sel = (k > tvec) | ((k == tvec) & (gi <= cvec))
        seli = sel.astype(i32)
        pos = n + plsc.cumsum(seli) - 1
        for jf in range(N_FIELDS):
            v = vals_v[pl.ds(jf * CHUNK + i * 16, 16)]
            plsc.store_scatter(cl_v, [pos + jf * (CHUNK + 16)], v, mask=sel)
        return n + jnp.sum(seli)

    n = lax.fori_loop(0, CHUNK // 16, body, jnp.int32(0))

    cnt_v[...] = jnp.full((16,), n, i32)
    pltpu.sync_copy(cnt_v, shared_cnt.at[pl.ds(wid * 16, 16)])
    plsc.subcore_barrier()
    pltpu.sync_copy(shared_cnt, allcnt_v)

    basev = jnp.zeros((16,), i32)
    for w in range(N_TILES):
        basev = basev + jnp.where(w < wid, allcnt_v[pl.ds(w * 16, 16)],
                                  jnp.zeros((16,), i32))

    nch = (n + 15) // 16

    def sbody(j, _):
        lpos = j * 16 + lax.iota(i32, 16)
        msk = lpos < n
        safe = jnp.where(msk, basev + lpos, TOP_K + lax.iota(i32, 16))
        for jf in range(N_FIELDS):
            pltpu.sync_copy(
                cl_v.at[pl.ds(jf * (CHUNK + 16) + j * 16, 16)],
                outs[jf].at[safe])
        return 0

    lax.fori_loop(0, nch, sbody, 0)


def _nms_kernel(cf_ref, s0, s1, s2, s3, s5, boxes_out, misc_out):
    i32 = jnp.int32
    ridx = lax.broadcasted_iota(i32, (8, 128), 0)
    cidx = lax.broadcasted_iota(i32, (8, 128), 1)
    pos = ridx * 128 + cidx

    x1 = cf_ref[0]
    y1 = cf_ref[1]
    x2 = cf_ref[2]
    y2 = cf_ref[3]
    s = cf_ref[4]
    ar = (x2 - x1) * (y2 - y1)
    w0 = jnp.where((pos < TOP_K) & (s >= SCORE_THR), s, NEG_INF)

    def nms_step(t, wv):
        m = jnp.max(wv)
        valid = m > NEG_INF
        eqm = wv == m
        i = jnp.min(jnp.where(eqm, pos, jnp.int32(2**30)))
        em = pos == i
        bx1 = s0[i]
        by1 = s1[i]
        bx2 = s2[i]
        by2 = s3[i]
        bid = s5[i]
        bar = (bx2 - bx1) * (by2 - by1)
        xx1 = jnp.maximum(bx1, x1)
        yy1 = jnp.maximum(by1, y1)
        xx2 = jnp.minimum(bx2, x2)
        yy2 = jnp.minimum(by2, y2)
        inter = jnp.maximum(xx2 - xx1, 0.0) * jnp.maximum(yy2 - yy1, 0.0)
        union = bar + ar - inter
        iou = inter / jnp.maximum(union, 1e-8)
        wnext = jnp.where((iou > IOU_THR) | em, NEG_INF, wv)

        vf = valid.astype(jnp.float32)
        row = jnp.concatenate(
            [jnp.where(valid, b, 0.0).reshape(1, 1)
             for b in (bx1, by1, bx2, by2)], axis=1)
        boxes_out[pl.ds(t, 1), :] = row
        mrow = jnp.concatenate([
            jnp.where(valid, bid, -1.0).reshape(1, 1),
            jnp.where(valid, m, 0.0).reshape(1, 1),
            vf.reshape(1, 1),
            jnp.zeros((1, 1), jnp.float32)], axis=1)
        misc_out[pl.ds(t, 1), :] = mrow
        return wnext

    lax.fori_loop(0, MAX_DET, nms_step, w0)


@jax.jit
def kernel(predictions, anchors):
    f32 = jnp.float32
    i32 = jnp.int32
    pred_t = jnp.pad(predictions[0].T, ((0, 0), (0, N_PAD - N_ANCHORS)))
    pred_t = pred_t.reshape(6, ROWS, 128)
    anc_t = jnp.pad(anchors.T, ((0, 0), (0, N_PAD - N_ANCHORS)))
    anc_t = anc_t.reshape(4, ROWS, 128)

    vals, key, thr = pl.pallas_call(
        _decode_kernel,
        out_shape=[
            jax.ShapeDtypeStruct((N_FIELDS, ROWS, 128), f32),
            jax.ShapeDtypeStruct((ROWS, 128), i32),
            jax.ShapeDtypeStruct((8, 128), i32),
        ],
    )(pred_t, anc_t)

    mesh = plsc.VectorSubcoreMesh(core_axis_name="c", subcore_axis_name="s",
                                  num_cores=1)
    compact = functools.partial(
        pl.kernel, mesh=mesh,
        compiler_params=pltpu.CompilerParams(needs_layout_passes=False),
        out_type=[jax.ShapeDtypeStruct((COMPACT,), f32)] * N_FIELDS,
        scratch_types=[
            pltpu.VMEM((CHUNK,), i32),
            pltpu.VMEM((N_FIELDS * CHUNK,), f32),
            pltpu.VMEM((N_FIELDS * (CHUNK + 16),), f32),
            pltpu.VMEM((16,), i32),
            pltpu.VMEM((16,), i32),
            pltpu.VMEM((16,), i32),
            pltpu.VMEM((N_TILES * 16,), i32),
            pltpu.VMEM_SHARED((N_TILES * 16,), i32),
            pltpu.SemaphoreType.DMA,
        ],
    )(_compact_kernel)
    cf = compact(
        key.reshape(N_PAD),
        vals.reshape(N_FIELDS * N_PAD),
        jnp.broadcast_to(thr[0, 0], (16,)),
        jnp.broadcast_to(thr[1, 0], (16,)),
    )

    boxes, misc = pl.pallas_call(
        _nms_kernel,
        in_specs=[pl.BlockSpec(memory_space=pltpu.MemorySpace.VMEM)]
        + [pl.BlockSpec(memory_space=pltpu.MemorySpace.SMEM)] * 5,
        out_shape=[
            jax.ShapeDtypeStruct((128, 4), f32),
            jax.ShapeDtypeStruct((128, 4), f32),
        ],
    )(jnp.stack([c.reshape(8, 128) for c in cf]),
      cf[0], cf[1], cf[2], cf[3], cf[5])

    det_boxes = boxes[:MAX_DET]
    det_ids = misc[:MAX_DET, 0].astype(i32)
    det_probs = misc[:MAX_DET, 1]
    det_valid = misc[:MAX_DET, 2] > 0.5
    det_boxes = jnp.where(det_valid[:, None], det_boxes, 0.0)
    return (det_boxes, det_ids, det_probs, det_valid)

# --- scband reference (transcript-rebuilt; emitter-appended) ---
"""Pipeline reference for scband-decode-predictions-33870112096818 (READ-ONLY COPY).

The authoritative reference and input builder live on the scoring server;
editing this copy changes nothing except your own understanding.
"""

import jax, jax.numpy as jnp
import numpy as np
from jax import lax

IMG_H = 640.0
IMG_W = 640.0
TOP_K = 1000
MAX_DET = 100
IOU_THR = 0.5
SCORE_THR = 0.5
VARIANCE = np.array([0.1, 0.1, 0.2, 0.2], dtype=np.float32)


def build_anchors():
    strides = [8, 16, 32, 64, 128]
    areas = [32.0 ** 2, 64.0 ** 2, 128.0 ** 2, 256.0 ** 2, 512.0 ** 2]
    ratios = [0.5, 1.0, 2.0]
    scales = [2 ** 0, 2 ** (1 / 3), 2 ** (2 / 3)]
    all_levels = []
    for i, stride in enumerate(strides):
        fh = int(640 // stride)
        fw = int(640 // stride)
        rx = (np.arange(fw, dtype=np.float32) + 0.5) * stride
        ry = (np.arange(fh, dtype=np.float32) + 0.5) * stride
        cx, cy = np.meshgrid(rx, ry)
        centers = np.stack([cx, cy], axis=-1).astype(np.float32)
        per_anchor = []
        for ratio in ratios:
            h = np.sqrt(areas[i] / ratio)
            w = areas[i] / h
            for scale in scales:
                wh = np.tile(np.array([w * scale, h * scale], dtype=np.float32).reshape(1, 1, 2), (fh, fw, 1))
                box = np.concatenate([centers, wh], axis=-1)[:, :, None, :]
                per_anchor.append(box)
        level = np.concatenate(per_anchor, axis=2).reshape(-1, 4)
        all_levels.append(level)
    return np.concatenate(all_levels, axis=0).astype(np.float32)


def setup_inputs(seed: int = 0):
    key = jax.random.key(seed)
    predictions = jax.random.normal(key, (1, 76725, 6), dtype=jnp.float32)
    anchors = jnp.asarray(build_anchors())
    return {"predictions": predictions, "anchors": anchors}


def _nms(boxes, scores):
    work = jnp.where(scores >= SCORE_THR, scores, -jnp.inf)
    areas = (boxes[:, 2] - boxes[:, 0]) * (boxes[:, 3] - boxes[:, 1])

    def step(w, _):
        i = jnp.argmax(w)
        valid = w[i] > -jnp.inf
        b = boxes[i]
        xx1 = jnp.maximum(b[0], boxes[:, 0])
        yy1 = jnp.maximum(b[1], boxes[:, 1])
        xx2 = jnp.minimum(b[2], boxes[:, 2])
        yy2 = jnp.minimum(b[3], boxes[:, 3])
        inter = jnp.maximum(xx2 - xx1, 0.0) * jnp.maximum(yy2 - yy1, 0.0)
        union = areas[i] + areas - inter
        iou = inter / jnp.maximum(union, 1e-8)
        w = jnp.where(iou > IOU_THR, -jnp.inf, w)
        w = w.at[i].set(-jnp.inf)
        return w, (i, valid)

    _, (idx, valid) = lax.scan(step, work, None, length=MAX_DET)
    return idx, valid


def reference(predictions, anchors):
    pred = predictions[0]
    box_pred = pred[:, :4]
    cls_pred = pred[:, 4:]
    # from_logits=False: no sigmoid
    cls_probs = jnp.max(cls_pred, axis=-1)
    cls_ids = jnp.argmax(cls_pred, axis=-1)
    b = box_pred * jnp.asarray(VARIANCE)
    xy = b[:, :2] * anchors[:, 2:] + anchors[:, :2]
    wh = jnp.exp(b[:, 2:]) * anchors[:, 2:]
    corners = jnp.concatenate([xy - wh / 2.0, xy + wh / 2.0], axis=-1)
    boxes = jnp.stack([
        jnp.clip(corners[:, 0], 0.0, IMG_W),
        jnp.clip(corners[:, 1], 0.0, IMG_H),
        jnp.clip(corners[:, 2], 0.0, IMG_W),
        jnp.clip(corners[:, 3], 0.0, IMG_H)], axis=-1)
    top_probs, top_idx = lax.top_k(cls_probs, TOP_K)
    top_boxes = boxes[top_idx]
    top_ids = cls_ids[top_idx]
    # IoU is invariant under swap_xy, so NMS on (x1,y1,x2,y2) matches tf behavior
    nms_idx, nms_valid = _nms(top_boxes, top_probs)
    det_boxes = jnp.where(nms_valid[:, None], top_boxes[nms_idx], 0.0)
    det_ids = jnp.where(nms_valid, top_ids[nms_idx], -1)
    det_probs = jnp.where(nms_valid, top_probs[nms_idx], 0.0)
    return (det_boxes, det_ids, det_probs, nms_valid)

if __name__ == "__main__":
    import jax
    _d = setup_inputs()
    print(jax.jit(kernel)(*tuple(_d.values())))

</pallas_src>

<mosaic_0001>
#map = affine_map<(d0, d1) -> (0)>
module attributes {stable_mosaic.version = 14 : i64} {
  func.func @_compact_kernel(%arg0: i32, %arg1: i32, %arg2: memref<76800xi32, #tpu.memory_space<hbm>>, %arg3: memref<460800xf32, #tpu.memory_space<hbm>>, %arg4: memref<16xi32, #tpu.memory_space<hbm>>, %arg5: memref<16xi32, #tpu.memory_space<hbm>>, %arg6: memref<1024xf32, #tpu.memory_space<hbm>>, %arg7: memref<1024xf32, #tpu.memory_space<hbm>>, %arg8: memref<1024xf32, #tpu.memory_space<hbm>>, %arg9: memref<1024xf32, #tpu.memory_space<hbm>>, %arg10: memref<1024xf32, #tpu.memory_space<hbm>>, %arg11: memref<1024xf32, #tpu.memory_space<hbm>>, %arg12: memref<4800xi32, #tpu.memory_space<vmem>>, %arg13: memref<28800xf32, #tpu.memory_space<vmem>>, %arg14: memref<28896xf32, #tpu.memory_space<vmem>>, %arg15: memref<16xi32, #tpu.memory_space<vmem>>, %arg16: memref<16xi32, #tpu.memory_space<vmem>>, %arg17: memref<16xi32, #tpu.memory_space<vmem>>, %arg18: memref<256xi32, #tpu.memory_space<vmem>>, %arg19: memref<256xi32, #tpu.memory_space<vmem_shared>>, %arg20: memref<!tpu.dma_semaphore, #tpu.memory_space<semaphore_mem>>) attributes {dimension_semantics = [#tpu.dimension_semantics<core_parallel>, #tpu.dimension_semantics<subcore_parallel>], iteration_bounds = array<i64: 1, 16>, scalar_prefetch = 0 : i64, scratch_operands = 9 : i64, tpu.core_type = #tpu.core_type<sc_vector_subcore>, window_params = [{transform_indices = #map}, {transform_indices = #map}, {transform_indices = #map}, {transform_indices = #map}, {transform_indices = #map}, {transform_indices = #map}, {transform_indices = #map}, {transform_indices = #map}, {transform_indices = #map}, {transform_indices = #map}]} {
    %mul3A = arith.constant 4800 : i32
    %mul3A_0 = arith.muli %arg1, %mul3A : i32
    %dma_start3A = tpu.memref_slice %arg2[%mul3A_0] : memref<76800xi32, #tpu.memory_space<hbm>> -> memref<4800xi32, #tpu.memory_space<hbm>>
    %dma_start3A_1 = tpu.memref_slice %arg2[%mul3A_0] : memref<76800xi32, #tpu.memory_space<hbm>> -> memref<4800xi32, #tpu.memory_space<hbm>>
    tpu.enqueue_dma source(%dma_start3A_1 : memref<4800xi32, #tpu.memory_space<hbm>>) target(%arg12 : memref<4800xi32, #tpu.memory_space<vmem>>) target_semaphore(%arg20 : memref<!tpu.dma_semaphore, #tpu.memory_space<semaphore_mem>>)
    %add3A = arith.constant 0 : i32
    %add3A_2 = arith.addi %add3A, %mul3A_0 : i32
    %dma_start3A_3 = arith.constant 0 : i32
    %dma_start3A_4 = tpu.memref_slice %arg13[%dma_start3A_3] : memref<28800xf32, #tpu.memory_space<vmem>> -> memref<4800xf32, #tpu.memory_space<vmem>>
    %dma_start3A_5 = tpu.memref_slice %arg3[%add3A_2] : memref<460800xf32, #tpu.memory_space<hbm>> -> memref<4800xf32, #tpu.memory_space<hbm>>
    %dma_start3A_6 = arith.constant 0 : i32
    %dma_start3A_7 = tpu.memref_slice %arg13[%dma_start3A_6] : memref<28800xf32, #tpu.memory_space<vmem>> -> memref<4800xf32, #tpu.memory_space<vmem>>
    %dma_start3A_8 = tpu.memref_slice %arg3[%add3A_2] : memref<460800xf32, #tpu.memory_space<hbm>> -> memref<4800xf32, #tpu.memory_space<hbm>>
    tpu.enqueue_dma source(%dma_start3A_8 : memref<4800xf32, #tpu.memory_space<hbm>>) target(%dma_start3A_7 : memref<4800xf32, #tpu.memory_space<vmem>>) target_semaphore(%arg20 : memref<!tpu.dma_semaphore, #tpu.memory_space<semaphore_mem>>)
    %add3A_9 = arith.constant 76800 : i32
    %add3A_10 = arith.addi %add3A_9, %mul3A_0 : i32
    %dma_start3A_11 = arith.constant 4800 : i32
    %dma_start3A_12 = tpu.memref_slice %arg13[%dma_start3A_11] : memref<28800xf32, #tpu.memory_space<vmem>> -> memref<4800xf32, #tpu.memory_space<vmem>>
    %dma_start3A_13 = tpu.memref_slice %arg3[%add3A_10] : memref<460800xf32, #tpu.memory_space<hbm>> -> memref<4800xf32, #tpu.memory_space<hbm>>
    %dma_start3A_14 = arith.constant 4800 : i32
    %dma_start3A_15 = tpu.memref_slice %arg13[%dma_start3A_14] : memref<28800xf32, #tpu.memory_space<vmem>> -> memref<4800xf32, #tpu.memory_space<vmem>>
    %dma_start3A_16 = tpu.memref_slice %arg3[%add3A_10] : memref<460800xf32, #tpu.memory_space<hbm>> -> memref<4800xf32, #tpu.memory_space<hbm>>
    tpu.enqueue_dma source(%dma_start3A_16 : memref<4800xf32, #tpu.memory_space<hbm>>) target(%dma_start3A_15 : memref<4800xf32, #tpu.memory_space<vmem>>) target_semaphore(%arg20 : memref<!tpu.dma_semaphore, #tpu.memory_space<semaphore_mem>>)
    %add3A_17 = arith.constant 153600 : i32
    %add3A_18 = arith.addi %add3A_17, %mul3A_0 : i32
    %dma_start3A_19 = arith.constant 9600 : i32
    %dma_start3A_20 = tpu.memref_slice %arg13[%dma_start3A_19] : memref<28800xf32, #tpu.memory_space<vmem>> -> memref<4800xf32, #tpu.memory_space<vmem>>
    %dma_start3A_21 = tpu.memref_slice %arg3[%add3A_18] : memref<460800xf32, #tpu.memory_space<hbm>> -> memref<4800xf32, #tpu.memory_space<hbm>>
    %dma_start3A_22 = arith.constant 9600 : i32
    %dma_start3A_23 = tpu.memref_slice %arg13[%dma_start3A_22] : memref<28800xf32, #tpu.memory_space<vmem>> -> memref<4800xf32, #tpu.memory_space<vmem>>
    %dma_start3A_24 = tpu.memref_slice %arg3[%add3A_18] : memref<460800xf32, #tpu.memory_space<hbm>> -> memref<4800xf32, #tpu.memory_space<hbm>>
    tpu.enqueue_dma source(%dma_start3A_24 : memref<4800xf32, #tpu.memory_space<hbm>>) target(%dma_start3A_23 : memref<4800xf32, #tpu.memory_space<vmem>>) target_semaphore(%arg20 : memref<!tpu.dma_semaphore, #tpu.memory_space<semaphore_mem>>)
    %add3A_25 = arith.constant 230400 : i32
    %add3A_26 = arith.addi %add3A_25, %mul3A_0 : i32
    %dma_start3A_27 = arith.constant 14400 : i32
    %dma_start3A_28 = tpu.memref_slice %arg13[%dma_start3A_27] : memref<28800xf32, #tpu.memory_space<vmem>> -> memref<4800xf32, #tpu.memory_space<vmem>>
    %dma_start3A_29 = tpu.memref_slice %arg3[%add3A_26] : memref<460800xf32, #tpu.memory_space<hbm>> -> memref<4800xf32, #tpu.memory_space<hbm>>
    %dma_start3A_30 = arith.constant 14400 : i32
    %dma_start3A_31 = tpu.memref_slice %arg13[%dma_start3A_30] : memref<28800xf32, #tpu.memory_space<vmem>> -> memref<4800xf32, #tpu.memory_space<vmem>>
    %dma_start3A_32 = tpu.memref_slice %arg3[%add3A_26] : memref<460800xf32, #tpu.memory_space<hbm>> -> memref<4800xf32, #tpu.memory_space<hbm>>
    tpu.enqueue_dma source(%dma_start3A_32 : memref<4800xf32, #tpu.memory_space<hbm>>) target(%dma_start3A_31 : memref<4800xf32, #tpu.memory_space<vmem>>) target_semaphore(%arg20 : memref<!tpu.dma_semaphore, #tpu.memory_space<semaphore_mem>>)
    %add3A_33 = arith.constant 307200 : i32
    %add3A_34 = arith.addi %add3A_33, %mul3A_0 : i32
    %dma_start3A_35 = arith.constant 19200 : i32
    %dma_start3A_36 = tpu.memref_slice %arg13[%dma_start3A_35] : memref<28800xf32, #tpu.memory_space<vmem>> -> memref<4800xf32, #tpu.memory_space<vmem>>
    %dma_start3A_37 = tpu.memref_slice %arg3[%add3A_34] : memref<460800xf32, #tpu.memory_space<hbm>> -> memref<4800xf32, #tpu.memory_space<hbm>>
    %dma_start3A_38 = arith.constant 19200 : i32
    %dma_start3A_39 = tpu.memref_slice %arg13[%dma_start3A_38] : memref<28800xf32, #tpu.memory_space<vmem>> -> memref<4800xf32, #tpu.memory_space<vmem>>
    %dma_start3A_40 = tpu.memref_slice %arg3[%add3A_34] : memref<460800xf32, #tpu.memory_space<hbm>> -> memref<4800xf32, #tpu.memory_space<hbm>>
    tpu.enqueue_dma source(%dma_start3A_40 : memref<4800xf32, #tpu.memory_space<hbm>>) target(%dma_start3A_39 : memref<4800xf32, #tpu.memory_space<vmem>>) target_semaphore(%arg20 : memref<!tpu.dma_semaphore, #tpu.memory_space<semaphore_mem>>)
    %add3A_41 = arith.constant 384000 : i32
    %add3A_42 = arith.addi %add3A_41, %mul3A_0 : i32
    %dma_start3A_43 = arith.constant 24000 : i32
    %dma_start3A_44 = tpu.memref_slice %arg13[%dma_start3A_43] : memref<28800xf32, #tpu.memory_space<vmem>> -> memref<4800xf32, #tpu.memory_space<vmem>>
    %dma_start3A_45 = tpu.memref_slice %arg3[%add3A_42] : memref<460800xf32, #tpu.memory_space<hbm>> -> memref<4800xf32, #tpu.memory_space<hbm>>
    %dma_start3A_46 = arith.constant 24000 : i32
    %dma_start3A_47 = tpu.memref_slice %arg13[%dma_start3A_46] : memref<28800xf32, #tpu.memory_space<vmem>> -> memref<4800xf32, #tpu.memory_space<vmem>>
    %dma_start3A_48 = tpu.memref_slice %arg3[%add3A_42] : memref<460800xf32, #tpu.memory_space<hbm>> -> memref<4800xf32, #tpu.memory_space<hbm>>
    tpu.enqueue_dma source(%dma_start3A_48 : memref<4800xf32, #tpu.memory_space<hbm>>) target(%dma_start3A_47 : memref<4800xf32, #tpu.memory_space<vmem>>) target_semaphore(%arg20 : memref<!tpu.dma_semaphore, #tpu.memory_space<semaphore_mem>>)
    tpu.enqueue_dma source(%arg4 : memref<16xi32, #tpu.memory_space<hbm>>) target(%arg15 : memref<16xi32, #tpu.memory_space<vmem>>) target_semaphore(%arg20 : memref<!tpu.dma_semaphore, #tpu.memory_space<semaphore_mem>>)
    tpu.enqueue_dma source(%arg5 : memref<16xi32, #tpu.memory_space<hbm>>) target(%arg16 : memref<16xi32, #tpu.memory_space<vmem>>) target_semaphore(%arg20 : memref<!tpu.dma_semaphore, #tpu.memory_space<semaphore_mem>>)
    %dma_wait3A = tpu.memref_slice %arg2[%mul3A_0] : memref<76800xi32, #tpu.memory_space<hbm>> -> memref<4800xi32, #tpu.memory_space<hbm>>
    %dma_wait3A_49 = tpu.memref_slice %arg2[%mul3A_0] : memref<76800xi32, #tpu.memory_space<hbm>> -> memref<4800xi32, #tpu.memory_space<hbm>>
    tpu.wait_dma2 semaphore(%arg20 : memref<!tpu.dma_semaphore, #tpu.memory_space<semaphore_mem>>) src(%dma_wait3A_49 : memref<4800xi32, #tpu.memory_space<hbm>>) dst(%arg12 : memref<4800xi32, #tpu.memory_space<vmem>>)
    %dma_wait3A_50 = arith.constant 0 : i32
    %dma_wait3A_51 = tpu.memref_slice %arg13[%dma_wait3A_50] : memref<28800xf32, #tpu.memory_space<vmem>> -> memref<4800xf32, #tpu.memory_space<vmem>>
    %dma_wait3A_52 = tpu.memref_slice %arg3[%add3A_2] : memref<460800xf32, #tpu.memory_space<hbm>> -> memref<4800xf32, #tpu.memory_space<hbm>>
    %dma_wait3A_53 = arith.constant 0 : i32
    %dma_wait3A_54 = tpu.memref_slice %arg13[%dma_wait3A_53] : memref<28800xf32, #tpu.memory_space<vmem>> -> memref<4800xf32, #tpu.memory_space<vmem>>
    %dma_wait3A_55 = tpu.memref_slice %arg3[%add3A_2] : memref<460800xf32, #tpu.memory_space<hbm>> -> memref<4800xf32, #tpu.memory_space<hbm>>
    tpu.wait_dma2 semaphore(%arg20 : memref<!tpu.dma_semaphore, #tpu.memory_space<semaphore_mem>>) src(%dma_wait3A_55 : memref<4800xf32, #tpu.memory_space<hbm>>) dst(%dma_wait3A_54 : memref<4800xf32, #tpu.memory_space<vmem>>)
    %dma_wait3A_56 = arith.constant 4800 : i32
    %dma_wait3A_57 = tpu.memref_slice %arg13[%dma_wait3A_56] : memref<28800xf32, #tpu.memory_space<vmem>> -> memref<4800xf32, #tpu.memory_space<vmem>>
    %dma_wait3A_58 = tpu.memref_slice %arg3[%add3A_10] : memref<460800xf32, #tpu.memory_space<hbm>> -> memref<4800xf32, #tpu.memory_space<hbm>>
    %dma_wait3A_59 = arith.constant 4800 : i32
    %dma_wait3A_60 = tpu.memref_slice %arg13[%dma_wait3A_59] : memref<28800xf32, #tpu.memory_space<vmem>> -> memref<4800xf32, #tpu.memory_space<vmem>>
    %dma_wait3A_61 = tpu.memref_slice %arg3[%add3A_10] : memref<460800xf32, #tpu.memory_space<hbm>> -> memref<4800xf32, #tpu.memory_space<hbm>>
    tpu.wait_dma2 semaphore(%arg20 : memref<!tpu.dma_semaphore, #tpu.memory_space<semaphore_mem>>) src(%dma_wait3A_61 : memref<4800xf32, #tpu.memory_space<hbm>>) dst(%dma_wait3A_60 : memref<4800xf32, #tpu.memory_space<vmem>>)
    %dma_wait3A_62 = arith.constant 9600 : i32
    %dma_wait3A_63 = tpu.memref_slice %arg13[%dma_wait3A_62] : memref<28800xf32, #tpu.memory_space<vmem>> -> memref<4800xf32, #tpu.memory_space<vmem>>
    %dma_wait3A_64 = tpu.memref_slice %arg3[%add3A_18] : memref<460800xf32, #tpu.memory_space<hbm>> -> memref<4800xf32, #tpu.memory_space<hbm>>
    %dma_wait3A_65 = arith.constant 9600 : i32
    %dma_wait3A_66 = tpu.memref_slice %arg13[%dma_wait3A_65] : memref<28800xf32, #tpu.memory_space<vmem>> -> memref<4800xf32, #tpu.memory_space<vmem>>
    %dma_wait3A_67 = tpu.memref_slice %arg3[%add3A_18] : memref<460800xf32, #tpu.memory_space<hbm>> -> memref<4800xf32, #tpu.memory_space<hbm>>
    tpu.wait_dma2 semaphore(%arg20 : memref<!tpu.dma_semaphore, #tpu.memory_space<semaphore_mem>>) src(%dma_wait3A_67 : memref<4800xf32, #tpu.memory_space<hbm>>) dst(%dma_wait3A_66 : memref<4800xf32, #tpu.memory_space<vmem>>)
    %dma_wait3A_68 = arith.constant 14400 : i32
    %dma_wait3A_69 = tpu.memref_slice %arg13[%dma_wait3A_68] : memref<28800xf32, #tpu.memory_space<vmem>> -> memref<4800xf32, #tpu.memory_space<vmem>>
    %dma_wait3A_70 = tpu.memref_slice %arg3[%add3A_26] : memref<460800xf32, #tpu.memory_space<hbm>> -> memref<4800xf32, #tpu.memory_space<hbm>>
    %dma_wait3A_71 = arith.constant 14400 : i32
    %dma_wait3A_72 = tpu.memref_slice %arg13[%dma_wait3A_71] : memref<28800xf32, #tpu.memory_space<vmem>> -> memref<4800xf32, #tpu.memory_space<vmem>>
    %dma_wait3A_73 = tpu.memref_slice %arg3[%add3A_26] : memref<460800xf32, #tpu.memory_space<hbm>> -> memref<4800xf32, #tpu.memory_space<hbm>>
    tpu.wait_dma2 semaphore(%arg20 : memref<!tpu.dma_semaphore, #tpu.memory_space<semaphore_mem>>) src(%dma_wait3A_73 : memref<4800xf32, #tpu.memory_space<hbm>>) dst(%dma_wait3A_72 : memref<4800xf32, #tpu.memory_space<vmem>>)
    %dma_wait3A_74 = arith.constant 19200 : i32
    %dma_wait3A_75 = tpu.memref_slice %arg13[%dma_wait3A_74] : memref<28800xf32, #tpu.memory_space<vmem>> -> memref<4800xf32, #tpu.memory_space<vmem>>
    %dma_wait3A_76 = tpu.memref_slice %arg3[%add3A_34] : memref<460800xf32, #tpu.memory_space<hbm>> -> memref<4800xf32, #tpu.memory_space<hbm>>
    %dma_wait3A_77 = arith.constant 19200 : i32
    %dma_wait3A_78 = tpu.memref_slice %arg13[%dma_wait3A_77] : memref<28800xf32, #tpu.memory_space<vmem>> -> memref<4800xf32, #tpu.memory_space<vmem>>
    %dma_wait3A_79 = tpu.memref_slice %arg3[%add3A_34] : memref<460800xf32, #tpu.memory_space<hbm>> -> memref<4800xf32, #tpu.memory_space<hbm>>
    tpu.wait_dma2 semaphore(%arg20 : memref<!tpu.dma_semaphore, #tpu.memory_space<semaphore_mem>>) src(%dma_wait3A_79 : memref<4800xf32, #tpu.memory_space<hbm>>) dst(%dma_wait3A_78 : memref<4800xf32, #tpu.memory_space<vmem>>)
    %dma_wait3A_80 = arith.constant 24000 : i32
    %dma_wait3A_81 = tpu.memref_slice %arg13[%dma_wait3A_80] : memref<28800xf32, #tpu.memory_space<vmem>> -> memref<4800xf32, #tpu.memory_space<vmem>>
    %dma_wait3A_82 = tpu.memref_slice %arg3[%add3A_42] : memref<460800xf32, #tpu.memory_space<hbm>> -> memref<4800xf32, #tpu.memory_space<hbm>>
    %dma_wait3A_83 = arith.constant 24000 : i32
    %dma_wait3A_84 = tpu.memref_slice %arg13[%dma_wait3A_83] : memref<28800xf32, #tpu.memory_space<vmem>> -> memref<4800xf32, #tpu.memory_space<vmem>>
    %dma_wait3A_85 = tpu.memref_slice %arg3[%add3A_42] : memref<460800xf32, #tpu.memory_space<hbm>> -> memref<4800xf32, #tpu.memory_space<hbm>>
    tpu.wait_dma2 semaphore(%arg20 : memref<!tpu.dma_semaphore, #tpu.memory_space<semaphore_mem>>) src(%dma_wait3A_85 : memref<4800xf32, #tpu.memory_space<hbm>>) dst(%dma_wait3A_84 : memref<4800xf32, #tpu.memory_space<vmem>>)
    tpu.wait_dma2 semaphore(%arg20 : memref<!tpu.dma_semaphore, #tpu.memory_space<semaphore_mem>>) src(%arg4 : memref<16xi32, #tpu.memory_space<hbm>>) dst(%arg15 : memref<16xi32, #tpu.memory_space<vmem>>)
    tpu.wait_dma2 semaphore(%arg20 : memref<!tpu.dma_semaphore, #tpu.memory_space<semaphore_mem>>) src(%arg5 : memref<16xi32, #tpu.memory_space<hbm>>) dst(%arg16 : memref<16xi32, #tpu.memory_space<vmem>>)
    %get3A = arith.constant 0 : index
    %get3A_86 = tpu.vector_load %arg15[%get3A] {strides = array<i32>} : memref<16xi32, #tpu.memory_space<vmem>>, vector<16xi32>,
    %get3A_87 = arith.constant 0 : index
    %get3A_88 = tpu.vector_load %arg16[%get3A_87] {strides = array<i32>} : memref<16xi32, #tpu.memory_space<vmem>>, vector<16xi32>,
    %scan3A = arith.constant 0 : i32
    %scan3A_89 = arith.constant 0 : i32
    %scan3A_90 = arith.constant 300 : i32
    %scan3A_91 = arith.addi %scan3A_89, %scan3A_90 : i32
    %scan3A_92 = arith.constant 1 : i32
    %scan3A_93 = scf.for %scan3A_256 = %scan3A_89 to %scan3A_91 step %scan3A_92 iter_args(%scan3A_257 = %scan3A) -> (i32)  : i32 {
      %mul3A_258 = arith.constant 16 : i32
      %mul3A_259 = arith.muli %scan3A_256, %mul3A_258 : i32
      %get3A_260 = arith.index_cast %mul3A_259 : i32 to index
      %get3A_261 = tpu.vector_load %arg12[%get3A_260] {strides = array<i32>} : memref<4800xi32, #tpu.memory_space<vmem>>, vector<16xi32>,
      %mul3A_262 = arith.constant 16 : i32
      %mul3A_263 = arith.muli %scan3A_256, %mul3A_262 : i32
      %add3A_264 = arith.addi %mul3A_0, %mul3A_263 : i32
      %iota3A = tpu.iota {dimensions = array<i32: 0>} : vector<16xi32>
      %add3A_265 = vector.broadcast %add3A_264 : i32 to vector<16xi32>
      %add3A_266 = arith.addi %add3A_265, %iota3A : vector<16xi32>
      %gt3A_267 = arith.cmpi sgt, %get3A_261, %get3A_86 : vector<16xi32>
      %eq3A = arith.cmpi eq, %get3A_261, %get3A_86 : vector<16xi32>
      %le3A = arith.cmpi sle, %add3A_266, %get3A_88 : vector<16xi32>
      %and3A_268 = arith.andi %eq3A, %le3A : vector<16xi1>
      %or3A = arith.ori %gt3A_267, %and3A_268 : vector<16xi1>
      %convert_element_type3A = arith.extui %or3A : vector<16xi1> to vector<16xi32>
      %broadcast_in_dim3A_269 = arith.constant true
      %broadcast_in_dim3A_270 = vector.broadcast %broadcast_in_dim3A_269 : i1 to vector<16xi1>
      %masked_cumsum3A = tpu.scan <sum>, %convert_element_type3A masked %broadcast_in_dim3A_270 : vector<16xi32>, vector<16xi1> -> vector<16xi32>
      %add3A_271 = vector.broadcast %scan3A_257 : i32 to vector<16xi32>
      %add3A_272 = arith.addi %add3A_271, %masked_cumsum3A : vector<16xi32>
      %sub3A_273 = arith.constant 1 : i32
      %sub3A_274 = vector.broadcast %sub3A_273 : i32 to vector<16xi32>
      %sub3A_275 = arith.subi %add3A_272, %sub3A_274 : vector<16xi32>
      %mul3A_276 = arith.constant 16 : i32
      %mul3A_277 = arith.muli %scan3A_256, %mul3A_276 : i32
      %add3A_278 = arith.constant 0 : i32
      %add3A_279 = arith.addi %add3A_278, %mul3A_277 : i32
      %get3A_280 = arith.index_cast %add3A_279 : i32 to index
      %get3A_281 = tpu.vector_load %arg13[%get3A_280] {strides = array<i32>} : memref<28800xf32, #tpu.memory_space<vmem>>, vector<16xf32>,
      %add3A_282 = arith.constant 0 : i32
      %add3A_283 = vector.broadcast %add3A_282 : i32 to vector<16xi32>
      %add3A_284 = arith.addi %sub3A_275, %add3A_283 : vector<16xi32>
      tpu.vector_store_idx %arg14[%add3A_284], %get3A_281 masked %or3A : memref<28896xf32, #tpu.memory_space<vmem>>[vector<16xi32>], vector<16xf32>, vector<16xi1>
      %mul3A_285 = arith.constant 16 : i32
      %mul3A_286 = arith.muli %scan3A_256, %mul3A_285 : i32
      %add3A_287 = arith.constant 4800 : i32
      %add3A_288 = arith.addi %add3A_287, %mul3A_286 : i32
      %get3A_289 = arith.index_cast %add3A_288 : i32 to index
      %get3A_290 = tpu.vector_load %arg13[%get3A_289] {strides = array<i32>} : memref<28800xf32, #tpu.memory_space<vmem>>, vector<16xf32>,
      %add3A_291 = arith.constant 4816 : i32
      %add3A_292 = vector.broadcast %add3A_291 : i32 to vector<16xi32>
      %add3A_293 = arith.addi %sub3A_275, %add3A_292 : vector<16xi32>
      tpu.vector_store_idx %arg14[%add3A_293], %get3A_290 masked %or3A : memref<28896xf32, #tpu.memory_space<vmem>>[vector<16xi32>], vector<16xf32>, vector<16xi1>
      %mul3A_294 = arith.constant 16 : i32
      %mul3A_295 = arith.muli %scan3A_256, %mul3A_294 : i32
      %add3A_296 = arith.constant 9600 : i32
      %add3A_297 = arith.addi %add3A_296, %mul3A_295 : i32
      %get3A_298 = arith.index_cast %add3A_297 : i32 to index
      %get3A_299 = tpu.vector_load %arg13[%get3A_298] {strides = array<i32>} : memref<28800xf32, #tpu.memory_space<vmem>>, vector<16xf32>,
      %add3A_300 = arith.constant 9632 : i32
      %add3A_301 = vector.broadcast %add3A_300 : i32 to vector<16xi32>
      %add3A_302 = arith.addi %sub3A_275, %add3A_301 : vector<16xi32>
      tpu.vector_store_idx %arg14[%add3A_302], %get3A_299 masked %or3A : memref<28896xf32, #tpu.memory_space<vmem>>[vector<16xi32>], vector<16xf32>, vector<16xi1>
      %mul3A_303 = arith.constant 16 : i32
      %mul3A_304 = arith.muli %scan3A_256, %mul3A_303 : i32
      %add3A_305 = arith.constant 14400 : i32
      %add3A_306 = arith.addi %add3A_305, %mul3A_304 : i32
      %get3A_307 = arith.index_cast %add3A_306 : i32 to index
      %get3A_308 = tpu.vector_load %arg13[%get3A_307] {strides = array<i32>} : memref<28800xf32, #tpu.memory_space<vmem>>, vector<16xf32>,
      %add3A_309 = arith.constant 14448 : i32
      %add3A_310 = vector.broadcast %add3A_309 : i32 to vector<16xi32>
      %add3A_311 = arith.addi %sub3A_275, %add3A_310 : vector<16xi32>
      tpu.vector_store_idx %arg14[%add3A_311], %get3A_308 masked %or3A : memref<28896xf32, #tpu.memory_space<vmem>>[vector<16xi32>], vector<16xf32>, vector<16xi1>
      %mul3A_312 = arith.constant 16 : i32
      %mul3A_313 = arith.muli %scan3A_256, %mul3A_312 : i32
      %add3A_314 = arith.constant 19200 : i32
      %add3A_315 = arith.addi %add3A_314, %mul3A_313 : i32
      %get3A_316 = arith.index_cast %add3A_315 : i32 to index
      %get3A_317 = tpu.vector_load %arg13[%get3A_316] {strides = array<i32>} : memref<28800xf32, #tpu.memory_space<vmem>>, vector<16xf32>,
      %add3A_318 = arith.constant 19264 : i32
      %add3A_319 = vector.broadcast %add3A_318 : i32 to vector<16xi32>
      %add3A_320 = arith.addi %sub3A_275, %add3A_319 : vector<16xi32>
      tpu.vector_store_idx %arg14[%add3A_320], %get3A_317 masked %or3A : memref<28896xf32, #tpu.memory_space<vmem>>[vector<16xi32>], vector<16xf32>, vector<16xi1>
      %mul3A_321 = arith.constant 16 : i32
      %mul3A_322 = arith.muli %scan3A_256, %mul3A_321 : i32
      %add3A_323 = arith.constant 24000 : i32
      %add3A_324 = arith.addi %add3A_323, %mul3A_322 : i32
      %get3A_325 = arith.index_cast %add3A_324 : i32 to index
      %get3A_326 = tpu.vector_load %arg13[%get3A_325] {strides = array<i32>} : memref<28800xf32, #tpu.memory_space<vmem>>, vector<16xf32>,
      %add3A_327 = arith.constant 24080 : i32
      %add3A_328 = vector.broadcast %add3A_327 : i32 to vector<16xi32>
      %add3A_329 = arith.addi %sub3A_275, %add3A_328 : vector<16xi32>
      tpu.vector_store_idx %arg14[%add3A_329], %get3A_326 masked %or3A : memref<28896xf32, #tpu.memory_space<vmem>>[vector<16xi32>], vector<16xf32>, vector<16xi1>
      %reduce_sum3A = arith.constant true
      %reduce_sum3A_330 = vector.broadcast %reduce_sum3A : i1 to vector<16xi1>
      %reduce_sum3A_331 = tpu.scan <sum>, %convert_element_type3A masked %reduce_sum3A_330 : vector<16xi32>, vector<16xi1> -> vector<16xi32>
      %reduce_sum3A_332 = vector.extract %reduce_sum3A_331[15] : i32 from vector<16xi32>
      %add3A_333 = arith.addi %scan3A_257, %reduce_sum3A_332 : i32
      scf.yield %add3A_333 : i32
    }
    %scan3A_94 = arith.constant 300 : i32
    %broadcast_in_dim3A = vector.broadcast %scan3A_93 : i32 to vector<16xi32>
    %swap3A = arith.constant 0 : index
    %swap3A_95 = tpu.vector_load %arg17[%swap3A] {strides = array<i32>} : memref<16xi32, #tpu.memory_space<vmem>>, vector<16xi32>,
    tpu.vector_store %arg17[%swap3A], %broadcast_in_dim3A {strides = array<i32>} : memref<16xi32, #tpu.memory_space<vmem>>, vector<16xi32>,
    %mul3A_96 = arith.constant 16 : i32
    %mul3A_97 = arith.muli %arg1, %mul3A_96 : i32
    "tpu.region"() ({
      %run_scoped3A = tpu.sem_alloc : memref<!tpu.dma_semaphore, #tpu.memory_space<semaphore_mem>>
      %dma_start3A_256 = tpu.memref_slice %arg19[%mul3A_97] : memref<256xi32, #tpu.memory_space<vmem_shared>> -> memref<16xi32, #tpu.memory_space<vmem_shared>>
      %dma_start3A_257 = tpu.memref_slice %arg19[%mul3A_97] : memref<256xi32, #tpu.memory_space<vmem_shared>> -> memref<16xi32, #tpu.memory_space<vmem_shared>>
      tpu.enqueue_dma source(%arg17 : memref<16xi32, #tpu.memory_space<vmem>>) target(%dma_start3A_257 : memref<16xi32, #tpu.memory_space<vmem_shared>>) target_semaphore(%run_scoped3A : memref<!tpu.dma_semaphore, #tpu.memory_space<semaphore_mem>>)
      %dma_wait3A_258 = tpu.memref_slice %arg19[%mul3A_97] : memref<256xi32, #tpu.memory_space<vmem_shared>> -> memref<16xi32, #tpu.memory_space<vmem_shared>>
      %dma_wait3A_259 = tpu.memref_slice %arg19[%mul3A_97] : memref<256xi32, #tpu.memory_space<vmem_shared>> -> memref<16xi32, #tpu.memory_space<vmem_shared>>
      tpu.wait_dma2 semaphore(%run_scoped3A : memref<!tpu.dma_semaphore, #tpu.memory_space<semaphore_mem>>) src(%arg17 : memref<16xi32, #tpu.memory_space<vmem>>) dst(%dma_wait3A_259 : memref<16xi32, #tpu.memory_space<vmem_shared>>)
      tpu.yield
    }) : () -> ()
    %barrier3A = arith.constant 0 : index
    tpu.barrier barrier_id(%barrier3A)
    "tpu.region"() ({
      %run_scoped3A = tpu.sem_alloc : memref<!tpu.dma_semaphore, #tpu.memory_space<semaphore_mem>>
      tpu.enqueue_dma source(%arg19 : memref<256xi32, #tpu.memory_space<vmem_shared>>) target(%arg18 : memref<256xi32, #tpu.memory_space<vmem>>) target_semaphore(%run_scoped3A : memref<!tpu.dma_semaphore, #tpu.memory_space<semaphore_mem>>)
      tpu.wait_dma2 semaphore(%run_scoped3A : memref<!tpu.dma_semaphore, #tpu.memory_space<semaphore_mem>>) src(%arg19 : memref<256xi32, #tpu.memory_space<vmem_shared>>) dst(%arg18 : memref<256xi32, #tpu.memory_space<vmem>>)
      tpu.yield
    }) : () -> ()
    %broadcast_in_dim3A_98 = arith.constant 0 : i32
    %broadcast_in_dim3A_99 = vector.broadcast %broadcast_in_dim3A_98 : i32 to vector<16xi32>
    %gt3A = arith.constant 0 : i32
    %gt3A_100 = arith.cmpi sgt, %arg1, %gt3A : i32
    %get3A_101 = arith.constant 0 : index
    %get3A_102 = tpu.vector_load %arg18[%get3A_101] {strides = array<i32>} : memref<256xi32, #tpu.memory_space<vmem>>, vector<16xi32>,
    %broadcast_in_dim3A_103 = arith.constant 0 : i32
    %broadcast_in_dim3A_104 = vector.broadcast %broadcast_in_dim3A_103 : i32 to vector<16xi32>
    %select_n3A = arith.select %gt3A_100, %get3A_102, %broadcast_in_dim3A_104 : vector<16xi32>
    %add3A_105 = arith.addi %broadcast_in_dim3A_99, %select_n3A : vector<16xi32>
    %gt3A_106 = arith.constant 1 : i32
    %gt3A_107 = arith.cmpi sgt, %arg1, %gt3A_106 : i32
    %get3A_108 = arith.constant 16 : index
    %get3A_109 = tpu.vector_load %arg18[%get3A_108] {strides = array<i32>} : memref<256xi32, #tpu.memory_space<vmem>>, vector<16xi32>,
    %broadcast_in_dim3A_110 = arith.constant 0 : i32
    %broadcast_in_dim3A_111 = vector.broadcast %broadcast_in_dim3A_110 : i32 to vector<16xi32>
    %select_n3A_112 = arith.select %gt3A_107, %get3A_109, %broadcast_in_dim3A_111 : vector<16xi32>
    %add3A_113 = arith.addi %add3A_105, %select_n3A_112 : vector<16xi32>
    %gt3A_114 = arith.constant 2 : i32
    %gt3A_115 = arith.cmpi sgt, %arg1, %gt3A_114 : i32
    %get3A_116 = arith.constant 32 : index
    %get3A_117 = tpu.vector_load %arg18[%get3A_116] {strides = array<i32>} : memref<256xi32, #tpu.memory_space<vmem>>, vector<16xi32>,
    %broadcast_in_dim3A_118 = arith.constant 0 : i32
    %broadcast_in_dim3A_119 = vector.broadcast %broadcast_in_dim3A_118 : i32 to vector<16xi32>
    %select_n3A_120 = arith.select %gt3A_115, %get3A_117, %broadcast_in_dim3A_119 : vector<16xi32>
    %add3A_121 = arith.addi %add3A_113, %select_n3A_120 : vector<16xi32>
    %gt3A_122 = arith.constant 3 : i32
    %gt3A_123 = arith.cmpi sgt, %arg1, %gt3A_122 : i32
    %get3A_124 = arith.constant 48 : index
    %get3A_125 = tpu.vector_load %arg18[%get3A_124] {strides = array<i32>} : memref<256xi32, #tpu.memory_space<vmem>>, vector<16xi32>,
    %broadcast_in_dim3A_126 = arith.constant 0 : i32
    %broadcast_in_dim3A_127 = vector.broadcast %broadcast_in_dim3A_126 : i32 to vector<16xi32>
    %select_n3A_128 = arith.select %gt3A_123, %get3A_125, %broadcast_in_dim3A_127 : vector<16xi32>
    %add3A_129 = arith.addi %add3A_121, %select_n3A_128 : vector<16xi32>
    %gt3A_130 = arith.constant 4 : i32
    %gt3A_131 = arith.cmpi sgt, %arg1, %gt3A_130 : i32
    %get3A_132 = arith.constant 64 : index
    %get3A_133 = tpu.vector_load %arg18[%get3A_132] {strides = array<i32>} : memref<256xi32, #tpu.memory_space<vmem>>, vector<16xi32>,
    %broadcast_in_dim3A_134 = arith.constant 0 : i32
    %broadcast_in_dim3A_135 = vector.broadcast %broadcast_in_dim3A_134 : i32 to vector<16xi32>
    %select_n3A_136 = arith.select %gt3A_131, %get3A_133, %broadcast_in_dim3A_135 : vector<16xi32>
    %add3A_137 = arith.addi %add3A_129, %select_n3A_136 : vector<16xi32>
    %gt3A_138 = arith.constant 5 : i32
    %gt3A_139 = arith.cmpi sgt, %arg1, %gt3A_138 : i32
    %get3A_140 = arith.constant 80 : index
    %get3A_141 = tpu.vector_load %arg18[%get3A_140] {strides = array<i32>} : memref<256xi32, #tpu.memory_space<vmem>>, vector<16xi32>,
    %broadcast_in_dim3A_142 = arith.constant 0 : i32
    %broadcast_in_dim3A_143 = vector.broadcast %broadcast_in_dim3A_142 : i32 to vector<16xi32>
    %select_n3A_144 = arith.select %gt3A_139, %get3A_141, %broadcast_in_dim3A_143 : vector<16xi32>
    %add3A_145 = arith.addi %add3A_137, %select_n3A_144 : vector<16xi32>
    %gt3A_146 = arith.constant 6 : i32
    %gt3A_147 = arith.cmpi sgt, %arg1, %gt3A_146 : i32
    %get3A_148 = arith.constant 96 : index
    %get3A_149 = tpu.vector_load %arg18[%get3A_148] {strides = array<i32>} : memref<256xi32, #tpu.memory_space<vmem>>, vector<16xi32>,
    %broadcast_in_dim3A_150 = arith.constant 0 : i32
    %broadcast_in_dim3A_151 = vector.broadcast %broadcast_in_dim3A_150 : i32 to vector<16xi32>
    %select_n3A_152 = arith.select %gt3A_147, %get3A_149, %broadcast_in_dim3A_151 : vector<16xi32>
    %add3A_153 = arith.addi %add3A_145, %select_n3A_152 : vector<16xi32>
    %gt3A_154 = arith.constant 7 : i32
    %gt3A_155 = arith.cmpi sgt, %arg1, %gt3A_154 : i32
    %get3A_156 = arith.constant 112 : index
    %get3A_157 = tpu.vector_load %arg18[%get3A_156] {strides = array<i32>} : memref<256xi32, #tpu.memory_space<vmem>>, vector<16xi32>,
    %broadcast_in_dim3A_158 = arith.constant 0 : i32
    %broadcast_in_dim3A_159 = vector.broadcast %broadcast_in_dim3A_158 : i32 to vector<16xi32>
    %select_n3A_160 = arith.select %gt3A_155, %get3A_157, %broadcast_in_dim3A_159 : vector<16xi32>
    %add3A_161 = arith.addi %add3A_153, %select_n3A_160 : vector<16xi32>
    %gt3A_162 = arith.constant 8 : i32
    %gt3A_163 = arith.cmpi sgt, %arg1, %gt3A_162 : i32
    %get3A_164 = arith.constant 128 : index
    %get3A_165 = tpu.vector_load %arg18[%get3A_164] {strides = array<i32>} : memref<256xi32, #tpu.memory_space<vmem>>, vector<16xi32>,
    %broadcast_in_dim3A_166 = arith.constant 0 : i32
    %broadcast_in_dim3A_167 = vector.broadcast %broadcast_in_dim3A_166 : i32 to vector<16xi32>
    %select_n3A_168 = arith.select %gt3A_163, %get3A_165, %broadcast_in_dim3A_167 : vector<16xi32>
    %add3A_169 = arith.addi %add3A_161, %select_n3A_168 : vector<16xi32>
    %gt3A_170 = arith.constant 9 : i32
    %gt3A_171 = arith.cmpi sgt, %arg1, %gt3A_170 : i32
    %get3A_172 = arith.constant 144 : index
    %get3A_173 = tpu.vector_load %arg18[%get3A_172] {strides = array<i32>} : memref<256xi32, #tpu.memory_space<vmem>>, vector<16xi32>,
    %broadcast_in_dim3A_174 = arith.constant 0 : i32
    %broadcast_in_dim3A_175 = vector.broadcast %broadcast_in_dim3A_174 : i32 to vector<16xi32>
    %select_n3A_176 = arith.select %gt3A_171, %get3A_173, %broadcast_in_dim3A_175 : vector<16xi32>
    %add3A_177 = arith.addi %add3A_169, %select_n3A_176 : vector<16xi32>
    %gt3A_178 = arith.constant 10 : i32
    %gt3A_179 = arith.cmpi sgt, %arg1, %gt3A_178 : i32
    %get3A_180 = arith.constant 160 : index
    %get3A_181 = tpu.vector_load %arg18[%get3A_180] {strides = array<i32>} : memref<256xi32, #tpu.memory_space<vmem>>, vector<16xi32>,
    %broadcast_in_dim3A_182 = arith.constant 0 : i32
    %broadcast_in_dim3A_183 = vector.broadcast %broadcast_in_dim3A_182 : i32 to vector<16xi32>
    %select_n3A_184 = arith.select %gt3A_179, %get3A_181, %broadcast_in_dim3A_183 : vector<16xi32>
    %add3A_185 = arith.addi %add3A_177, %select_n3A_184 : vector<16xi32>
    %gt3A_186 = arith.constant 11 : i32
    %gt3A_187 = arith.cmpi sgt, %arg1, %gt3A_186 : i32
    %get3A_188 = arith.constant 176 : index
    %get3A_189 = tpu.vector_load %arg18[%get3A_188] {strides = array<i32>} : memref<256xi32, #tpu.memory_space<vmem>>, vector<16xi32>,
    %broadcast_in_dim3A_190 = arith.constant 0 : i32
    %broadcast_in_dim3A_191 = vector.broadcast %broadcast_in_dim3A_190 : i32 to vector<16xi32>
    %select_n3A_192 = arith.select %gt3A_187, %get3A_189, %broadcast_in_dim3A_191 : vector<16xi32>
    %add3A_193 = arith.addi %add3A_185, %select_n3A_192 : vector<16xi32>
    %gt3A_194 = arith.constant 12 : i32
    %gt3A_195 = arith.cmpi sgt, %arg1, %gt3A_194 : i32
    %get3A_196 = arith.constant 192 : index
    %get3A_197 = tpu.vector_load %arg18[%get3A_196] {strides = array<i32>} : memref<256xi32, #tpu.memory_space<vmem>>, vector<16xi32>,
    %broadcast_in_dim3A_198 = arith.constant 0 : i32
    %broadcast_in_dim3A_199 = vector.broadcast %broadcast_in_dim3A_198 : i32 to vector<16xi32>
    %select_n3A_200 = arith.select %gt3A_195, %get3A_197, %broadcast_in_dim3A_199 : vector<16xi32>
    %add3A_201 = arith.addi %add3A_193, %select_n3A_200 : vector<16xi32>
    %gt3A_202 = arith.constant 13 : i32
    %gt3A_203 = arith.cmpi sgt, %arg1, %gt3A_202 : i32
    %get3A_204 = arith.constant 208 : index
    %get3A_205 = tpu.vector_load %arg18[%get3A_204] {strides = array<i32>} : memref<256xi32, #tpu.memory_space<vmem>>, vector<16xi32>,
    %broadcast_in_dim3A_206 = arith.constant 0 : i32
    %broadcast_in_dim3A_207 = vector.broadcast %broadcast_in_dim3A_206 : i32 to vector<16xi32>
    %select_n3A_208 = arith.select %gt3A_203, %get3A_205, %broadcast_in_dim3A_207 : vector<16xi32>
    %add3A_209 = arith.addi %add3A_201, %select_n3A_208 : vector<16xi32>
    %gt3A_210 = arith.constant 14 : i32
    %gt3A_211 = arith.cmpi sgt, %arg1, %gt3A_210 : i32
    %get3A_212 = arith.constant 224 : index
    %get3A_213 = tpu.vector_load %arg18[%get3A_212] {strides = array<i32>} : memref<256xi32, #tpu.memory_space<vmem>>, vector<16xi32>,
    %broadcast_in_dim3A_214 = arith.constant 0 : i32
    %broadcast_in_dim3A_215 = vector.broadcast %broadcast_in_dim3A_214 : i32 to vector<16xi32>
    %select_n3A_216 = arith.select %gt3A_211, %get3A_213, %broadcast_in_dim3A_215 : vector<16xi32>
    %add3A_217 = arith.addi %add3A_209, %select_n3A_216 : vector<16xi32>
    %gt3A_218 = arith.constant 15 : i32
    %gt3A_219 = arith.cmpi sgt, %arg1, %gt3A_218 : i32
    %get3A_220 = arith.constant 240 : index
    %get3A_221 = tpu.vector_load %arg18[%get3A_220] {strides = array<i32>} : memref<256xi32, #tpu.memory_space<vmem>>, vector<16xi32>,
    %broadcast_in_dim3A_222 = arith.constant 0 : i32
    %broadcast_in_dim3A_223 = vector.broadcast %broadcast_in_dim3A_222 : i32 to vector<16xi32>
    %select_n3A_224 = arith.select %gt3A_219, %get3A_221, %broadcast_in_dim3A_223 : vector<16xi32>
    %add3A_225 = arith.addi %add3A_217, %select_n3A_224 : vector<16xi32>
    %add3A_226 = arith.constant 15 : i32
    %add3A_227 = arith.addi %scan3A_93, %add3A_226 : i32
    %jit3A = arith.constant 16 : i32
    %div3A = arith.divsi %add3A_227, %jit3A : i32
    %sign3A = arith.constant 0 : i32
    %sign3A_228 = arith.cmpi sgt, %add3A_227, %sign3A : i32
    %sign3A_229 = arith.extui %sign3A_228 : i1 to i32
    %sign3A_230 = arith.constant 0 : i32
    %sign3A_231 = arith.cmpi slt, %add3A_227, %sign3A_230 : i32
    %sign3A_232 = arith.extui %sign3A_231 : i1 to i32
    %sign3A_233 = arith.subi %sign3A_229, %sign3A_232 : i32
    %sign3A_234 = arith.constant 0 : i32
    %sign3A_235 = arith.cmpi sgt, %jit3A, %sign3A_234 : i32
    %sign3A_236 = arith.extui %sign3A_235 : i1 to i32
    %sign3A_237 = arith.constant 0 : i32
    %sign3A_238 = arith.cmpi slt, %jit3A, %sign3A_237 : i32
    %sign3A_239 = arith.extui %sign3A_238 : i1 to i32
    %sign3A_240 = arith.subi %sign3A_236, %sign3A_239 : i32
    %ne3A = arith.cmpi ne, %sign3A_233, %sign3A_240 : i32
    %rem3A = arith.remsi %add3A_227, %jit3A : i32
    %ne3A_241 = arith.constant 0 : i32
    %ne3A_242 = arith.cmpi ne, %rem3A, %ne3A_241 : i32
    %and3A = arith.andi %ne3A, %ne3A_242 : i1
    %sub3A = arith.constant 1 : i32
    %sub3A_243 = arith.subi %div3A, %sub3A : i32
    %select_n3A_244 = arith.select %and3A, %sub3A_243, %div3A : i32
    %while3A = arith.constant 0 : i32
    %while3A_245 = arith.constant 0 : i32
    %while3A_246 = arith.subi %select_n3A_244, %while3A : i32
    %while3A_247 = arith.addi %while3A, %while3A_246 : i32
    %while3A_248 = arith.constant 1 : i32
    %while3A_249 = arith.divsi %while3A_246, %while3A_248 : i32
    %while3A_250 = arith.muli %while3A_249, %while3A_248 : i32
    %while3A_251 = arith.addi %while3A, %while3A_250 : i32
    %while3A_252 = arith.constant 1 : i32
    %while3A_253 = scf.for %while3A_256 = %while3A to %while3A_251 step %while3A_252 iter_args(%while3A_257 = %while3A_245) -> (i32)  : i32 {
      %mul3A_258 = arith.constant 16 : i32
      %mul3A_259 = arith.muli %while3A_256, %mul3A_258 : i32
      %iota3A = tpu.iota {dimensions = array<i32: 0>} : vector<16xi32>
      %add3A_260 = vector.broadcast %mul3A_259 : i32 to vector<16xi32>
      %add3A_261 = arith.addi %add3A_260, %iota3A : vector<16xi32>
      %lt3A = vector.broadcast %scan3A_93 : i32 to vector<16xi32>
      %lt3A_262 = arith.cmpi slt, %add3A_261, %lt3A : vector<16xi32>
      %add3A_263 = arith.addi %add3A_225, %add3A_261 : vector<16xi32>
      %iota3A_264 = tpu.iota {dimensions = array<i32: 0>} : vector<16xi32>
      %add3A_265 = arith.constant 1000 : i32
      %add3A_266 = vector.broadcast %add3A_265 : i32 to vector<16xi32>
      %add3A_267 = arith.addi %add3A_266, %iota3A_264 : vector<16xi32>
      %select_n3A_268 = arith.select %lt3A_262, %add3A_263, %add3A_267 : vector<16xi1>, vector<16xi32>
      %mul3A_269 = arith.constant 16 : i32
      %mul3A_270 = arith.muli %while3A_256, %mul3A_269 : i32
      %add3A_271 = arith.constant 0 : i32
      %add3A_272 = arith.addi %add3A_271, %mul3A_270 : i32
      "tpu.region"() ({
        %run_scoped3A = tpu.sem_alloc : memref<!tpu.dma_semaphore, #tpu.memory_space<semaphore_mem>>
        %dma_start3A_294 = tpu.memref_slice %arg14[%add3A_272] : memref<28896xf32, #tpu.memory_space<vmem>> -> memref<16xf32, #tpu.memory_space<vmem>>
        %dma_start3A_295 = arith.constant 0 : i32
        %dma_start3A_296 = tpu.memref_slice %arg6[%dma_start3A_295] : memref<1024xf32, #tpu.memory_space<hbm>> -> memref<1024xf32, #tpu.memory_space<hbm>>
        tpu.enqueue_indirect_dma source(%dma_start3A_294 : memref<16xf32, #tpu.memory_space<vmem>>) target(%dma_start3A_296 : memref<1024xf32, #tpu.memory_space<hbm>>) offsets(%select_n3A_268 : vector<16xi32>) semaphore(%run_scoped3A : memref<!tpu.dma_semaphore, #tpu.memory_space<semaphore_mem>>)
        %dma_wait3A_297 = tpu.memref_slice %arg14[%add3A_272] : memref<28896xf32, #tpu.memory_space<vmem>> -> memref<16xf32, #tpu.memory_space<vmem>>
        %dma_wait3A_298 = arith.constant 0 : i32
        %dma_wait3A_299 = tpu.memref_slice %arg6[%dma_wait3A_298] : memref<1024xf32, #tpu.memory_space<hbm>> -> memref<1024xf32, #tpu.memory_space<hbm>>
        tpu.wait_indirect_dma semaphore(%run_scoped3A : memref<!tpu.dma_semaphore, #tpu.memory_space<semaphore_mem>>) src(%dma_wait3A_297 : memref<16xf32, #tpu.memory_space<vmem>>) dst(%dma_wait3A_299 : memref<1024xf32, #tpu.memory_space<hbm>>)
        tpu.yield
      }) : () -> ()
      %mul3A_273 = arith.constant 16 : i32
      %mul3A_274 = arith.muli %while3A_256, %mul3A_273 : i32
      %add3A_275 = arith.constant 4816 : i32
      %add3A_276 = arith.addi %add3A_275, %mul3A_274 : i32
      "tpu.region"() ({
        %run_scoped3A = tpu.sem_alloc : memref<!tpu.dma_semaphore, #tpu.memory_space<semaphore_mem>>
        %dma_start3A_294 = tpu.memref_slice %arg14[%add3A_276] : memref<28896xf32, #tpu.memory_space<vmem>> -> memref<16xf32, #tpu.memory_space<vmem>>
        %dma_start3A_295 = arith.constant 0 : i32
        %dma_start3A_296 = tpu.memref_slice %arg7[%dma_start3A_295] : memref<1024xf32, #tpu.memory_space<hbm>> -> memref<1024xf32, #tpu.memory_space<hbm>>
        tpu.enqueue_indirect_dma source(%dma_start3A_294 : memref<16xf32, #tpu.memory_space<vmem>>) target(%dma_start3A_296 : memref<1024xf32, #tpu.memory_space<hbm>>) offsets(%select_n3A_268 : vector<16xi32>) semaphore(%run_scoped3A : memref<!tpu.dma_semaphore, #tpu.memory_space<semaphore_mem>>)
        %dma_wait3A_297 = tpu.memref_slice %arg14[%add3A_276] : memref<28896xf32, #tpu.memory_space<vmem>> -> memref<16xf32, #tpu.memory_space<vmem>>
        %dma_wait3A_298 = arith.constant 0 : i32
        %dma_wait3A_299 = tpu.memref_slice %arg7[%dma_wait3A_298] : memref<1024xf32, #tpu.memory_space<hbm>> -> memref<1024xf32, #tpu.memory_space<hbm>>
        tpu.wait_indirect_dma semaphore(%run_scoped3A : memref<!tpu.dma_semaphore, #tpu.memory_space<semaphore_mem>>) src(%dma_wait3A_297 : memref<16xf32, #tpu.memory_space<vmem>>) dst(%dma_wait3A_299 : memref<1024xf32, #tpu.memory_space<hbm>>)
        tpu.yield
      }) : () -> ()
      %mul3A_277 = arith.constant 16 : i32
      %mul3A_278 = arith.muli %while3A_256, %mul3A_277 : i32
      %add3A_279 = arith.constant 9632 : i32
      %add3A_280 = arith.addi %add3A_279, %mul3A_278 : i32
      "tpu.region"() ({
        %run_scoped3A = tpu.sem_alloc : memref<!tpu.dma_semaphore, #tpu.memory_space<semaphore_mem>>
        %dma_start3A_294 = tpu.memref_slice %arg14[%add3A_280] : memref<28896xf32, #tpu.memory_space<vmem>> -> memref<16xf32, #tpu.memory_space<vmem>>
        %dma_start3A_295 = arith.constant 0 : i32
        %dma_start3A_296 = tpu.memref_slice %arg8[%dma_start3A_295] : memref<1024xf32, #tpu.memory_space<hbm>> -> memref<1024xf32, #tpu.memory_space<hbm>>
        tpu.enqueue_indirect_dma source(%dma_start3A_294 : memref<16xf32, #tpu.memory_space<vmem>>) target(%dma_start3A_296 : memref<1024xf32, #tpu.memory_space<hbm>>) offsets(%select_n3A_268 : vector<16xi32>) semaphore(%run_scoped3A : memref<!tpu.dma_semaphore, #tpu.memory_space<semaphore_mem>>)
        %dma_wait3A_297 = tpu.memref_slice %arg14[%add3A_280] : memref<28896xf32, #tpu.memory_space<vmem>> -> memref<16xf32, #tpu.memory_space<vmem>>
        %dma_wait3A_298 = arith.constant 0 : i32
        %dma_wait3A_299 = tpu.memref_slice %arg8[%dma_wait3A_298] : memref<1024xf32, #tpu.memory_space<hbm>> -> memref<1024xf32, #tpu.memory_space<hbm>>
        tpu.wait_indirect_dma semaphore(%run_scoped3A : memref<!tpu.dma_semaphore, #tpu.memory_space<semaphore_mem>>) src(%dma_wait3A_297 : memref<16xf32, #tpu.memory_space<vmem>>) dst(%dma_wait3A_299 : memref<1024xf32, #tpu.memory_space<hbm>>)
        tpu.yield
      }) : () -> ()
      %mul3A_281 = arith.constant 16 : i32
      %mul3A_282 = arith.muli %while3A_256, %mul3A_281 : i32
      %add3A_283 = arith.constant 14448 : i32
      %add3A_284 = arith.addi %add3A_283, %mul3A_282 : i32
      "tpu.region"() ({
        %run_scoped3A = tpu.sem_alloc : memref<!tpu.dma_semaphore, #tpu.memory_space<semaphore_mem>>
        %dma_start3A_294 = tpu.memref_slice %arg14[%add3A_284] : memref<28896xf32, #tpu.memory_space<vmem>> -> memref<16xf32, #tpu.memory_space<vmem>>
        %dma_start3A_295 = arith.constant 0 : i32
        %dma_start3A_296 = tpu.memref_slice %arg9[%dma_start3A_295] : memref<1024xf32, #tpu.memory_space<hbm>> -> memref<1024xf32, #tpu.memory_space<hbm>>
        tpu.enqueue_indirect_dma source(%dma_start3A_294 : memref<16xf32, #tpu.memory_space<vmem>>) target(%dma_start3A_296 : memref<1024xf32, #tpu.memory_space<hbm>>) offsets(%select_n3A_268 : vector<16xi32>) semaphore(%run_scoped3A : memref<!tpu.dma_semaphore, #tpu.memory_space<semaphore_mem>>)
        %dma_wait3A_297 = tpu.memref_slice %arg14[%add3A_284] : memref<28896xf32, #tpu.memory_space<vmem>> -> memref<16xf32, #tpu.memory_space<vmem>>
        %dma_wait3A_298 = arith.constant 0 : i32
        %dma_wait3A_299 = tpu.memref_slice %arg9[%dma_wait3A_298] : memref<1024xf32, #tpu.memory_space<hbm>> -> memref<1024xf32, #tpu.memory_space<hbm>>
        tpu.wait_indirect_dma semaphore(%run_scoped3A : memref<!tpu.dma_semaphore, #tpu.memory_space<semaphore_mem>>) src(%dma_wait3A_297 : memref<16xf32, #tpu.memory_space<vmem>>) dst(%dma_wait3A_299 : memref<1024xf32, #tpu.memory_space<hbm>>)
        tpu.yield
      }) : () -> ()
      %mul3A_285 = arith.constant 16 : i32
      %mul3A_286 = arith.muli %while3A_256, %mul3A_285 : i32
      %add3A_287 = arith.constant 19264 : i32
      %add3A_288 = arith.addi %add3A_287, %mul3A_286 : i32
      "tpu.region"() ({
        %run_scoped3A = tpu.sem_alloc : memref<!tpu.dma_semaphore, #tpu.memory_space<semaphore_mem>>
        %dma_start3A_294 = tpu.memref_slice %arg14[%add3A_288] : memref<28896xf32, #tpu.memory_space<vmem>> -> memref<16xf32, #tpu.memory_space<vmem>>
        %dma_start3A_295 = arith.constant 0 : i32
        %dma_start3A_296 = tpu.memref_slice %arg10[%dma_start3A_295] : memref<1024xf32, #tpu.memory_space<hbm>> -> memref<1024xf32, #tpu.memory_space<hbm>>
        tpu.enqueue_indirect_dma source(%dma_start3A_294 : memref<16xf32, #tpu.memory_space<vmem>>) target(%dma_start3A_296 : memref<1024xf32, #tpu.memory_space<hbm>>) offsets(%select_n3A_268 : vector<16xi32>) semaphore(%run_scoped3A : memref<!tpu.dma_semaphore, #tpu.memory_space<semaphore_mem>>)
        %dma_wait3A_297 = tpu.memref_slice %arg14[%add3A_288] : memref<28896xf32, #tpu.memory_space<vmem>> -> memref<16xf32, #tpu.memory_space<vmem>>
        %dma_wait3A_298 = arith.constant 0 : i32
        %dma_wait3A_299 = tpu.memref_slice %arg10[%dma_wait3A_298] : memref<1024xf32, #tpu.memory_space<hbm>> -> memref<1024xf32, #tpu.memory_space<hbm>>
        tpu.wait_indirect_dma semaphore(%run_scoped3A : memref<!tpu.dma_semaphore, #tpu.memory_space<semaphore_mem>>) src(%dma_wait3A_297 : memref<16xf32, #tpu.memory_space<vmem>>) dst(%dma_wait3A_299 : memref<1024xf32, #tpu.memory_space<hbm>>)
        tpu.yield
      }) : () -> ()
      %mul3A_289 = arith.constant 16 : i32
      %mul3A_290 = arith.muli %while3A_256, %mul3A_289 : i32
      %add3A_291 = arith.constant 24080 : i32
      %add3A_292 = arith.addi %add3A_291, %mul3A_290 : i32
      "tpu.region"() ({
        %run_scoped3A = tpu.sem_alloc : memref<!tpu.dma_semaphore, #tpu.memory_space<semaphore_mem>>
        %dma_start3A_294 = tpu.memref_slice %arg14[%add3A_292] : memref<28896xf32, #tpu.memory_space<vmem>> -> memref<16xf32, #tpu.memory_space<vmem>>
        %dma_start3A_295 = arith.constant 0 : i32
        %dma_start3A_296 = tpu.memref_slice %arg11[%dma_start3A_295] : memref<1024xf32, #tpu.memory_space<hbm>> -> memref<1024xf32, #tpu.memory_space<hbm>>
        tpu.enqueue_indirect_dma source(%dma_start3A_294 : memref<16xf32, #tpu.memory_space<vmem>>) target(%dma_start3A_296 : memref<1024xf32, #tpu.memory_space<hbm>>) offsets(%select_n3A_268 : vector<16xi32>) semaphore(%run_scoped3A : memref<!tpu.dma_semaphore, #tpu.memory_space<semaphore_mem>>)
        %dma_wait3A_297 = tpu.memref_slice %arg14[%add3A_292] : memref<28896xf32, #tpu.memory_space<vmem>> -> memref<16xf32, #tpu.memory_space<vmem>>
        %dma_wait3A_298 = arith.constant 0 : i32
        %dma_wait3A_299 = tpu.memref_slice %arg11[%dma_wait3A_298] : memref<1024xf32, #tpu.memory_space<hbm>> -> memref<1024xf32, #tpu.memory_space<hbm>>
        tpu.wait_indirect_dma semaphore(%run_scoped3A : memref<!tpu.dma_semaphore, #tpu.memory_space<semaphore_mem>>) src(%dma_wait3A_297 : memref<16xf32, #tpu.memory_space<vmem>>) dst(%dma_wait3A_299 : memref<1024xf32, #tpu.memory_space<hbm>>)
        tpu.yield
      }) : () -> ()
      %while3A_293 = arith.constant 0 : i32
      scf.yield %while3A_293 : i32
    }
    %while3A_254 = arith.constant 1 : i32
    %while3A_255 = scf.for %while3A_256 = %while3A_251 to %while3A_247 step %while3A_254 iter_args(%while3A_257 = %while3A_253) -> (i32)  : i32 {
      %mul3A_258 = arith.constant 16 : i32
      %mul3A_259 = arith.muli %while3A_256, %mul3A_258 : i32
      %iota3A = tpu.iota {dimensions = array<i32: 0>} : vector<16xi32>
      %add3A_260 = vector.broadcast %mul3A_259 : i32 to vector<16xi32>
      %add3A_261 = arith.addi %add3A_260, %iota3A : vector<16xi32>
      %lt3A = vector.broadcast %scan3A_93 : i32 to vector<16xi32>
      %lt3A_262 = arith.cmpi slt, %add3A_261, %lt3A : vector<16xi32>
      %add3A_263 = arith.addi %add3A_225, %add3A_261 : vector<16xi32>
      %iota3A_264 = tpu.iota {dimensions = array<i32: 0>} : vector<16xi32>
      %add3A_265 = arith.constant 1000 : i32
      %add3A_266 = vector.broadcast %add3A_265 : i32 to vector<16xi32>
      %add3A_267 = arith.addi %add3A_266, %iota3A_264 : vector<16xi32>
      %select_n3A_268 = arith.select %lt3A_262, %add3A_263, %add3A_267 : vector<16xi1>, vector<16xi32>
      %mul3A_269 = arith.constant 16 : i32
      %mul3A_270 = arith.muli %while3A_256, %mul3A_269 : i32
      %add3A_271 = arith.constant 0 : i32
      %add3A_272 = arith.addi %add3A_271, %mul3A_270 : i32
      "tpu.region"() ({
        %run_scoped3A = tpu.sem_alloc : memref<!tpu.dma_semaphore, #tpu.memory_space<semaphore_mem>>
        %dma_start3A_294 = tpu.memref_slice %arg14[%add3A_272] : memref<28896xf32, #tpu.memory_space<vmem>> -> memref<16xf32, #tpu.memory_space<vmem>>
        %dma_start3A_295 = arith.constant 0 : i32
        %dma_start3A_296 = tpu.memref_slice %arg6[%dma_start3A_295] : memref<1024xf32, #tpu.memory_space<hbm>> -> memref<1024xf32, #tpu.memory_space<hbm>>
        tpu.enqueue_indirect_dma source(%dma_start3A_294 : memref<16xf32, #tpu.memory_space<vmem>>) target(%dma_start3A_296 : memref<1024xf32, #tpu.memory_space<hbm>>) offsets(%select_n3A_268 : vector<16xi32>) semaphore(%run_scoped3A : memref<!tpu.dma_semaphore, #tpu.memory_space<semaphore_mem>>)
        %dma_wait3A_297 = tpu.memref_slice %arg14[%add3A_272] : memref<28896xf32, #tpu.memory_space<vmem>> -> memref<16xf32, #tpu.memory_space<vmem>>
        %dma_wait3A_298 = arith.constant 0 : i32
        %dma_wait3A_299 = tpu.memref_slice %arg6[%dma_wait3A_298] : memref<1024xf32, #tpu.memory_space<hbm>> -> memref<1024xf32, #tpu.memory_space<hbm>>
        tpu.wait_indirect_dma semaphore(%run_scoped3A : memref<!tpu.dma_semaphore, #tpu.memory_space<semaphore_mem>>) src(%dma_wait3A_297 : memref<16xf32, #tpu.memory_space<vmem>>) dst(%dma_wait3A_299 : memref<1024xf32, #tpu.memory_space<hbm>>)
        tpu.yield
      }) : () -> ()
      %mul3A_273 = arith.constant 16 : i32
      %mul3A_274 = arith.muli %while3A_256, %mul3A_273 : i32
      %add3A_275 = arith.constant 4816 : i32
      %add3A_276 = arith.addi %add3A_275, %mul3A_274 : i32
      "tpu.region"() ({
        %run_scoped3A = tpu.sem_alloc : memref<!tpu.dma_semaphore, #tpu.memory_space<semaphore_mem>>
        %dma_start3A_294 = tpu.memref_slice %arg14[%add3A_276] : memref<28896xf32, #tpu.memory_space<vmem>> -> memref<16xf32, #tpu.memory_space<vmem>>
        %dma_start3A_295 = arith.constant 0 : i32
        %dma_start3A_296 = tpu.memref_slice %arg7[%dma_start3A_295] : memref<1024xf32, #tpu.memory_space<hbm>> -> memref<1024xf32, #tpu.memory_space<hbm>>
        tpu.enqueue_indirect_dma source(%dma_start3A_294 : memref<16xf32, #tpu.memory_space<vmem>>) target(%dma_start3A_296 : memref<1024xf32, #tpu.memory_space<hbm>>) offsets(%select_n3A_268 : vector<16xi32>) semaphore(%run_scoped3A : memref<!tpu.dma_semaphore, #tpu.memory_space<semaphore_mem>>)
        %dma_wait3A_297 = tpu.memref_slice %arg14[%add3A_276] : memref<28896xf32, #tpu.memory_space<vmem>> -> memref<16xf32, #tpu.memory_space<vmem>>
        %dma_wait3A_298 = arith.constant 0 : i32
        %dma_wait3A_299 = tpu.memref_slice %arg7[%dma_wait3A_298] : memref<1024xf32, #tpu.memory_space<hbm>> -> memref<1024xf32, #tpu.memory_space<hbm>>
        tpu.wait_indirect_dma semaphore(%run_scoped3A : memref<!tpu.dma_semaphore, #tpu.memory_space<semaphore_mem>>) src(%dma_wait3A_297 : memref<16xf32, #tpu.memory_space<vmem>>) dst(%dma_wait3A_299 : memref<1024xf32, #tpu.memory_space<hbm>>)
        tpu.yield
      }) : () -> ()
      %mul3A_277 = arith.constant 16 : i32
      %mul3A_278 = arith.muli %while3A_256, %mul3A_277 : i32
      %add3A_279 = arith.constant 9632 : i32
      %add3A_280 = arith.addi %add3A_279, %mul3A_278 : i32
      "tpu.region"() ({
        %run_scoped3A = tpu.sem_alloc : memref<!tpu.dma_semaphore, #tpu.memory_space<semaphore_mem>>
        %dma_start3A_294 = tpu.memref_slice %arg14[%add3A_280] : memref<28896xf32, #tpu.memory_space<vmem>> -> memref<16xf32, #tpu.memory_space<vmem>>
        %dma_start3A_295 = arith.constant 0 : i32
        %dma_start3A_296 = tpu.memref_slice %arg8[%dma_start3A_295] : memref<1024xf32, #tpu.memory_space<hbm>> -> memref<1024xf32, #tpu.memory_space<hbm>>
        tpu.enqueue_indirect_dma source(%dma_start3A_294 : memref<16xf32, #tpu.memory_space<vmem>>) target(%dma_start3A_296 : memref<1024xf32, #tpu.memory_space<hbm>>) offsets(%select_n3A_268 : vector<16xi32>) semaphore(%run_scoped3A : memref<!tpu.dma_semaphore, #tpu.memory_space<semaphore_mem>>)
        %dma_wait3A_297 = tpu.memref_slice %arg14[%add3A_280] : memref<28896xf32, #tpu.memory_space<vmem>> -> memref<16xf32, #tpu.memory_space<vmem>>
        %dma_wait3A_298 = arith.constant 0 : i32
        %dma_wait3A_299 = tpu.memref_slice %arg8[%dma_wait3A_298] : memref<1024xf32, #tpu.memory_space<hbm>> -> memref<1024xf32, #tpu.memory_space<hbm>>
        tpu.wait_indirect_dma semaphore(%run_scoped3A : memref<!tpu.dma_semaphore, #tpu.memory_space<semaphore_mem>>) src(%dma_wait3A_297 : memref<16xf32, #tpu.memory_space<vmem>>) dst(%dma_wait3A_299 : memref<1024xf32, #tpu.memory_space<hbm>>)
        tpu.yield
      }) : () -> ()
      %mul3A_281 = arith.constant 16 : i32
      %mul3A_282 = arith.muli %while3A_256, %mul3A_281 : i32
      %add3A_283 = arith.constant 14448 : i32
      %add3A_284 = arith.addi %add3A_283, %mul3A_282 : i32
      "tpu.region"() ({
        %run_scoped3A = tpu.sem_alloc : memref<!tpu.dma_semaphore, #tpu.memory_space<semaphore_mem>>
        %dma_start3A_294 = tpu.memref_slice %arg14[%add3A_284] : memref<28896xf32, #tpu.memory_space<vmem>> -> memref<16xf32, #tpu.memory_space<vmem>>
        %dma_start3A_295 = arith.constant 0 : i32
        %dma_start3A_296 = tpu.memref_slice %arg9[%dma_start3A_295] : memref<1024xf32, #tpu.memory_space<hbm>> -> memref<1024xf32, #tpu.memory_space<hbm>>
        tpu.enqueue_indirect_dma source(%dma_start3A_294 : memref<16xf32, #tpu.memory_space<vmem>>) target(%dma_start3A_296 : memref<1024xf32, #tpu.memory_space<hbm>>) offsets(%select_n3A_268 : vector<16xi32>) semaphore(%run_scoped3A : memref<!tpu.dma_semaphore, #tpu.memory_space<semaphore_mem>>)
        %dma_wait3A_297 = tpu.memref_slice %arg14[%add3A_284] : memref<28896xf32, #tpu.memory_space<vmem>> -> memref<16xf32, #tpu.memory_space<vmem>>
        %dma_wait3A_298 = arith.constant 0 : i32
        %dma_wait3A_299 = tpu.memref_slice %arg9[%dma_wait3A_298] : memref<1024xf32, #tpu.memory_space<hbm>> -> memref<1024xf32, #tpu.memory_space<hbm>>
        tpu.wait_indirect_dma semaphore(%run_scoped3A : memref<!tpu.dma_semaphore, #tpu.memory_space<semaphore_mem>>) src(%dma_wait3A_297 : memref<16xf32, #tpu.memory_space<vmem>>) dst(%dma_wait3A_299 : memref<1024xf32, #tpu.memory_space<hbm>>)
        tpu.yield
      }) : () -> ()
      %mul3A_285 = arith.constant 16 : i32
      %mul3A_286 = arith.muli %while3A_256, %mul3A_285 : i32
      %add3A_287 = arith.constant 19264 : i32
      %add3A_288 = arith.addi %add3A_287, %mul3A_286 : i32
      "tpu.region"() ({
        %run_scoped3A = tpu.sem_alloc : memref<!tpu.dma_semaphore, #tpu.memory_space<semaphore_mem>>
        %dma_start3A_294 = tpu.memref_slice %arg14[%add3A_288] : memref<28896xf32, #tpu.memory_space<vmem>> -> memref<16xf32, #tpu.memory_space<vmem>>
        %dma_start3A_295 = arith.constant 0 : i32
        %dma_start3A_296 = tpu.memref_slice %arg10[%dma_start3A_295] : memref<1024xf32, #tpu.memory_space<hbm>> -> memref<1024xf32, #tpu.memory_space<hbm>>
        tpu.enqueue_indirect_dma source(%dma_start3A_294 : memref<16xf32, #tpu.memory_space<vmem>>) target(%dma_start3A_296 : memref<1024xf32, #tpu.memory_space<hbm>>) offsets(%select_n3A_268 : vector<16xi32>) semaphore(%run_scoped3A : memref<!tpu.dma_semaphore, #tpu.memory_space<semaphore_mem>>)
        %dma_wait3A_297 = tpu.memref_slice %arg14[%add3A_288] : memref<28896xf32, #tpu.memory_space<vmem>> -> memref<16xf32, #tpu.memory_space<vmem>>
        %dma_wait3A_298 = arith.constant 0 : i32
        %dma_wait3A_299 = tpu.memref_slice %arg10[%dma_wait3A_298] : memref<1024xf32, #tpu.memory_space<hbm>> -> memref<1024xf32, #tpu.memory_space<hbm>>
        tpu.wait_indirect_dma semaphore(%run_scoped3A : memref<!tpu.dma_semaphore, #tpu.memory_space<semaphore_mem>>) src(%dma_wait3A_297 : memref<16xf32, #tpu.memory_space<vmem>>) dst(%dma_wait3A_299 : memref<1024xf32, #tpu.memory_space<hbm>>)
        tpu.yield
      }) : () -> ()
      %mul3A_289 = arith.constant 16 : i32
      %mul3A_290 = arith.muli %while3A_256, %mul3A_289 : i32
      %add3A_291 = arith.constant 24080 : i32
      %add3A_292 = arith.addi %add3A_291, %mul3A_290 : i32
      "tpu.region"() ({
        %run_scoped3A = tpu.sem_alloc : memref<!tpu.dma_semaphore, #tpu.memory_space<semaphore_mem>>
        %dma_start3A_294 = tpu.memref_slice %arg14[%add3A_292] : memref<28896xf32, #tpu.memory_space<vmem>> -> memref<16xf32, #tpu.memory_space<vmem>>
        %dma_start3A_295 = arith.constant 0 : i32
        %dma_start3A_296 = tpu.memref_slice %arg11[%dma_start3A_295] : memref<1024xf32, #tpu.memory_space<hbm>> -> memref<1024xf32, #tpu.memory_space<hbm>>
        tpu.enqueue_indirect_dma source(%dma_start3A_294 : memref<16xf32, #tpu.memory_space<vmem>>) target(%dma_start3A_296 : memref<1024xf32, #tpu.memory_space<hbm>>) offsets(%select_n3A_268 : vector<16xi32>) semaphore(%run_scoped3A : memref<!tpu.dma_semaphore, #tpu.memory_space<semaphore_mem>>)
        %dma_wait3A_297 = tpu.memref_slice %arg14[%add3A_292] : memref<28896xf32, #tpu.memory_space<vmem>> -> memref<16xf32, #tpu.memory_space<vmem>>
        %dma_wait3A_298 = arith.constant 0 : i32
        %dma_wait3A_299 = tpu.memref_slice %arg11[%dma_wait3A_298] : memref<1024xf32, #tpu.memory_space<hbm>> -> memref<1024xf32, #tpu.memory_space<hbm>>
        tpu.wait_indirect_dma semaphore(%run_scoped3A : memref<!tpu.dma_semaphore, #tpu.memory_space<semaphore_mem>>) src(%dma_wait3A_297 : memref<16xf32, #tpu.memory_space<vmem>>) dst(%dma_wait3A_299 : memref<1024xf32, #tpu.memory_space<hbm>>)
        tpu.yield
      }) : () -> ()
      %while3A_293 = arith.constant 0 : i32
      scf.yield %while3A_293 : i32
    }
    return
  }
}

module attributes {stable_mosaic.version = 14 : i64} {
  func.func @_decode_kernel(%arg0: memref<6x600x128xf32, #tpu.memory_space<vmem>>, %arg1: memref<4x600x128xf32, #tpu.memory_space<vmem>>, %arg2: memref<6x600x128xf32, #tpu.memory_space<vmem>>, %arg3: memref<600x128xi32, #tpu.memory_space<vmem>>, %arg4: memref<8x128xi32, #tpu.memory_space<vmem>>) attributes {dimension_semantics = [], scalar_prefetch = 0 : i64, scratch_operands = 0 : i64, tpu.core_type = #tpu.core_type<tc>} {
    %iota3A = tpu.iota {dimensions = array<i32: 0>} : vector<600x128xi32>
    %iota3A_0 = tpu.iota {dimensions = array<i32: 1>} : vector<600x128xi32>
    %mul3A = arith.constant 128 : i32
    %mul3A_1 = vector.broadcast %mul3A : i32 to vector<600x128xi32>
    %mul3A_2 = arith.muli %iota3A, %mul3A_1 : vector<600x128xi32>
    %add3A = arith.addi %mul3A_2, %iota3A_0 : vector<600x128xi32>
    %get3A = arith.constant 4 : index
    %get3A_3 = arith.constant 0 : index
    %get3A_4 = arith.constant 0 : index
    %get3A_5 = vector.load %arg0[%get3A, %get3A_3, %get3A_4] : memref<6x600x128xf32, #tpu.memory_space<vmem>>, vector<1x600x128xf32>
    %get3A_6 = vector.shape_cast %get3A_5 : vector<1x600x128xf32> to vector<600x128xf32>
    %get3A_7 = arith.constant 5 : index
    %get3A_8 = arith.constant 0 : index
    %get3A_9 = arith.constant 0 : index
    %get3A_10 = vector.load %arg0[%get3A_7, %get3A_8, %get3A_9] : memref<6x600x128xf32, #tpu.memory_space<vmem>>, vector<1x600x128xf32>
    %get3A_11 = vector.shape_cast %get3A_10 : vector<1x600x128xf32> to vector<600x128xf32>
    %max3A = arith.maximumf %get3A_6, %get3A_11 : vector<600x128xf32>
    %add3A_12 = arith.constant 0.000000e+00 : f32
    %add3A_13 = vector.broadcast %add3A_12 : f32 to vector<600x128xf32>
    %add3A_14 = arith.addf %max3A, %add3A_13 : vector<600x128xf32>
    %gt3A = arith.cmpf ogt, %get3A_11, %get3A_6 : vector<600x128xf32>
    %convert_element_type3A = arith.extui %gt3A : vector<600x128xi1> to vector<600x128xi32>
    %convert_element_type3A_15 = arith.sitofp %convert_element_type3A : vector<600x128xi32> to vector<600x128xf32>
    %bitcast_convert_type3A = tpu.bitcast %add3A_14 : vector<600x128xf32> -> vector<600x128xi32>
    %ge3A = arith.constant 0 : i32
    %ge3A_16 = vector.broadcast %ge3A : i32 to vector<600x128xi32>
    %ge3A_17 = arith.cmpi sge, %bitcast_convert_type3A, %ge3A_16 : vector<600x128xi32>
    %xor3A = arith.constant 2147483647 : i32
    %xor3A_18 = vector.broadcast %xor3A : i32 to vector<600x128xi32>
    %xor3A_19 = arith.xori %bitcast_convert_type3A, %xor3A_18 : vector<600x128xi32>
    %select_n3A = arith.select %ge3A_17, %bitcast_convert_type3A, %xor3A_19 : vector<600x128xi1>, vector<600x128xi32>
    %lt3A = arith.constant 76725 : i32
    %lt3A_20 = vector.broadcast %lt3A : i32 to vector<600x128xi32>
    %lt3A_21 = arith.cmpi slt, %add3A, %lt3A_20 : vector<600x128xi32>
    %jit3A = arith.constant -2147483648 : i32
    %broadcast_in_dim3A = vector.broadcast %jit3A : i32 to vector<600x128xi32>
    %select_n3A_22 = arith.select %lt3A_21, %select_n3A, %broadcast_in_dim3A : vector<600x128xi1>, vector<600x128xi32>
    %get3A_23 = arith.constant 0 : index
    %get3A_24 = arith.constant 0 : index
    %get3A_25 = arith.constant 0 : index
    %get3A_26 = vector.load %arg0[%get3A_23, %get3A_24, %get3A_25] : memref<6x600x128xf32, #tpu.memory_space<vmem>>, vector<1x600x128xf32>
    %get3A_27 = vector.shape_cast %get3A_26 : vector<1x600x128xf32> to vector<600x128xf32>
    %mul3A_28 = arith.constant 1.000000e-01 : f32
    %mul3A_29 = vector.broadcast %mul3A_28 : f32 to vector<600x128xf32>
    %mul3A_30 = arith.mulf %get3A_27, %mul3A_29 : vector<600x128xf32>
    %get3A_31 = arith.constant 1 : index
    %get3A_32 = arith.constant 0 : index
    %get3A_33 = arith.constant 0 : index
    %get3A_34 = vector.load %arg0[%get3A_31, %get3A_32, %get3A_33] : memref<6x600x128xf32, #tpu.memory_space<vmem>>, vector<1x600x128xf32>
    %get3A_35 = vector.shape_cast %get3A_34 : vector<1x600x128xf32> to vector<600x128xf32>
    %mul3A_36 = arith.constant 1.000000e-01 : f32
    %mul3A_37 = vector.broadcast %mul3A_36 : f32 to vector<600x128xf32>
    %mul3A_38 = arith.mulf %get3A_35, %mul3A_37 : vector<600x128xf32>
    %get3A_39 = arith.constant 2 : index
    %get3A_40 = arith.constant 0 : index
    %get3A_41 = arith.constant 0 : index
    %get3A_42 = vector.load %arg0[%get3A_39, %get3A_40, %get3A_41] : memref<6x600x128xf32, #tpu.memory_space<vmem>>, vector<1x600x128xf32>
    %get3A_43 = vector.shape_cast %get3A_42 : vector<1x600x128xf32> to vector<600x128xf32>
    %mul3A_44 = arith.constant 2.000000e-01 : f32
    %mul3A_45 = vector.broadcast %mul3A_44 : f32 to vector<600x128xf32>
    %mul3A_46 = arith.mulf %get3A_43, %mul3A_45 : vector<600x128xf32>
    %get3A_47 = arith.constant 3 : index
    %get3A_48 = arith.constant 0 : index
    %get3A_49 = arith.constant 0 : index
    %get3A_50 = vector.load %arg0[%get3A_47, %get3A_48, %get3A_49] : memref<6x600x128xf32, #tpu.memory_space<vmem>>, vector<1x600x128xf32>
    %get3A_51 = vector.shape_cast %get3A_50 : vector<1x600x128xf32> to vector<600x128xf32>
    %mul3A_52 = arith.constant 2.000000e-01 : f32
    %mul3A_53 = vector.broadcast %mul3A_52 : f32 to vector<600x128xf32>
    %mul3A_54 = arith.mulf %get3A_51, %mul3A_53 : vector<600x128xf32>
    %get3A_55 = arith.constant 0 : index
    %get3A_56 = arith.constant 0 : index
    %get3A_57 = arith.constant 0 : index
    %get3A_58 = vector.load %arg1[%get3A_55, %get3A_56, %get3A_57] : memref<4x600x128xf32, #tpu.memory_space<vmem>>, vector<1x600x128xf32>
    %get3A_59 = vector.shape_cast %get3A_58 : vector<1x600x128xf32> to vector<600x128xf32>
    %get3A_60 = arith.constant 1 : index
    %get3A_61 = arith.constant 0 : index
    %get3A_62 = arith.constant 0 : index
    %get3A_63 = vector.load %arg1[%get3A_60, %get3A_61, %get3A_62] : memref<4x600x128xf32, #tpu.memory_space<vmem>>, vector<1x600x128xf32>
    %get3A_64 = vector.shape_cast %get3A_63 : vector<1x600x128xf32> to vector<600x128xf32>
    %get3A_65 = arith.constant 2 : index
    %get3A_66 = arith.constant 0 : index
    %get3A_67 = arith.constant 0 : index
    %get3A_68 = vector.load %arg1[%get3A_65, %get3A_66, %get3A_67] : memref<4x600x128xf32, #tpu.memory_space<vmem>>, vector<1x600x128xf32>
    %get3A_69 = vector.shape_cast %get3A_68 : vector<1x600x128xf32> to vector<600x128xf32>
    %get3A_70 = arith.constant 3 : index
    %get3A_71 = arith.constant 0 : index
    %get3A_72 = arith.constant 0 : index
    %get3A_73 = vector.load %arg1[%get3A_70, %get3A_71, %get3A_72] : memref<4x600x128xf32, #tpu.memory_space<vmem>>, vector<1x600x128xf32>
    %get3A_74 = vector.shape_cast %get3A_73 : vector<1x600x128xf32> to vector<600x128xf32>
    %mul3A_75 = arith.mulf %mul3A_30, %get3A_69 : vector<600x128xf32>
    %add3A_76 = arith.addf %mul3A_75, %get3A_59 : vector<600x128xf32>
    %mul3A_77 = arith.mulf %mul3A_38, %get3A_74 : vector<600x128xf32>
    %add3A_78 = arith.addf %mul3A_77, %get3A_64 : vector<600x128xf32>
    %exp3A = math.exp %mul3A_46 : vector<600x128xf32>
    %mul3A_79 = arith.mulf %exp3A, %get3A_69 : vector<600x128xf32>
    %exp3A_80 = math.exp %mul3A_54 : vector<600x128xf32>
    %mul3A_81 = arith.mulf %exp3A_80, %get3A_74 : vector<600x128xf32>
    %div3A = arith.constant 2.000000e+00 : f32
    %div3A_82 = vector.broadcast %div3A : f32 to vector<600x128xf32>
    %div3A_83 = arith.divf %mul3A_79, %div3A_82 : vector<600x128xf32>
    %sub3A = arith.subf %add3A_76, %div3A_83 : vector<600x128xf32>
    %jit3A_84 = arith.constant 0.000000e+00 : f32
    %jit3A_85 = arith.constant 6.400000e+02 : f32
    %max3A_86 = vector.broadcast %jit3A_84 : f32 to vector<600x128xf32>
    %max3A_87 = arith.maximumf %max3A_86, %sub3A : vector<600x128xf32>
    %min3A = vector.broadcast %jit3A_85 : f32 to vector<600x128xf32>
    %min3A_88 = arith.minimumf %min3A, %max3A_87 : vector<600x128xf32>
    %swap3A = arith.constant 0 : index
    %swap3A_89 = arith.constant 0 : index
    %swap3A_90 = arith.constant 0 : index
    %swap3A_91 = vector.load %arg2[%swap3A, %swap3A_89, %swap3A_90] : memref<6x600x128xf32, #tpu.memory_space<vmem>>, vector<1x600x128xf32>
    %swap3A_92 = vector.shape_cast %swap3A_91 : vector<1x600x128xf32> to vector<600x128xf32>
    %swap3A_93 = vector.shape_cast %min3A_88 : vector<600x128xf32> to vector<1x600x128xf32>
    tpu.vector_store %arg2[%swap3A, %swap3A_89, %swap3A_90], %swap3A_93 {strides = array<i32>} : memref<6x600x128xf32, #tpu.memory_space<vmem>>, vector<1x600x128xf32>,
    %div3A_94 = arith.constant 2.000000e+00 : f32
    %div3A_95 = vector.broadcast %div3A_94 : f32 to vector<600x128xf32>
    %div3A_96 = arith.divf %mul3A_81, %div3A_95 : vector<600x128xf32>
    %sub3A_97 = arith.subf %add3A_78, %div3A_96 : vector<600x128xf32>
    %jit3A_98 = arith.constant 0.000000e+00 : f32
    %jit3A_99 = arith.constant 6.400000e+02 : f32
    %max3A_100 = vector.broadcast %jit3A_98 : f32 to vector<600x128xf32>
    %max3A_101 = arith.maximumf %max3A_100, %sub3A_97 : vector<600x128xf32>
    %min3A_102 = vector.broadcast %jit3A_99 : f32 to vector<600x128xf32>
    %min3A_103 = arith.minimumf %min3A_102, %max3A_101 : vector<600x128xf32>
    %swap3A_104 = arith.constant 1 : index
    %swap3A_105 = arith.constant 0 : index
    %swap3A_106 = arith.constant 0 : index
    %swap3A_107 = vector.load %arg2[%swap3A_104, %swap3A_105, %swap3A_106] : memref<6x600x128xf32, #tpu.memory_space<vmem>>, vector<1x600x128xf32>
    %swap3A_108 = vector.shape_cast %swap3A_107 : vector<1x600x128xf32> to vector<600x128xf32>
    %swap3A_109 = vector.shape_cast %min3A_103 : vector<600x128xf32> to vector<1x600x128xf32>
    tpu.vector_store %arg2[%swap3A_104, %swap3A_105, %swap3A_106], %swap3A_109 {strides = array<i32>} : memref<6x600x128xf32, #tpu.memory_space<vmem>>, vector<1x600x128xf32>,
    %div3A_110 = arith.constant 2.000000e+00 : f32
    %div3A_111 = vector.broadcast %div3A_110 : f32 to vector<600x128xf32>
    %div3A_112 = arith.divf %mul3A_79, %div3A_111 : vector<600x128xf32>
    %add3A_113 = arith.addf %add3A_76, %div3A_112 : vector<600x128xf32>
    %jit3A_114 = arith.constant 0.000000e+00 : f32
    %jit3A_115 = arith.constant 6.400000e+02 : f32
    %max3A_116 = vector.broadcast %jit3A_114 : f32 to vector<600x128xf32>
    %max3A_117 = arith.maximumf %max3A_116, %add3A_113 : vector<600x128xf32>
    %min3A_118 = vector.broadcast %jit3A_115 : f32 to vector<600x128xf32>
    %min3A_119 = arith.minimumf %min3A_118, %max3A_117 : vector<600x128xf32>
    %swap3A_120 = arith.constant 2 : index
    %swap3A_121 = arith.constant 0 : index
    %swap3A_122 = arith.constant 0 : index
    %swap3A_123 = vector.load %arg2[%swap3A_120, %swap3A_121, %swap3A_122] : memref<6x600x128xf32, #tpu.memory_space<vmem>>, vector<1x600x128xf32>
    %swap3A_124 = vector.shape_cast %swap3A_123 : vector<1x600x128xf32> to vector<600x128xf32>
    %swap3A_125 = vector.shape_cast %min3A_119 : vector<600x128xf32> to vector<1x600x128xf32>
    tpu.vector_store %arg2[%swap3A_120, %swap3A_121, %swap3A_122], %swap3A_125 {strides = array<i32>} : memref<6x600x128xf32, #tpu.memory_space<vmem>>, vector<1x600x128xf32>,
    %div3A_126 = arith.constant 2.000000e+00 : f32
    %div3A_127 = vector.broadcast %div3A_126 : f32 to vector<600x128xf32>
    %div3A_128 = arith.divf %mul3A_81, %div3A_127 : vector<600x128xf32>
    %add3A_129 = arith.addf %add3A_78, %div3A_128 : vector<600x128xf32>
    %jit3A_130 = arith.constant 0.000000e+00 : f32
    %jit3A_131 = arith.constant 6.400000e+02 : f32
    %max3A_132 = vector.broadcast %jit3A_130 : f32 to vector<600x128xf32>
    %max3A_133 = arith.maximumf %max3A_132, %add3A_129 : vector<600x128xf32>
    %min3A_134 = vector.broadcast %jit3A_131 : f32 to vector<600x128xf32>
    %min3A_135 = arith.minimumf %min3A_134, %max3A_133 : vector<600x128xf32>
    %swap3A_136 = arith.constant 3 : index
    %swap3A_137 = arith.constant 0 : index
    %swap3A_138 = arith.constant 0 : index
    %swap3A_139 = vector.load %arg2[%swap3A_136, %swap3A_137, %swap3A_138] : memref<6x600x128xf32, #tpu.memory_space<vmem>>, vector<1x600x128xf32>
    %swap3A_140 = vector.shape_cast %swap3A_139 : vector<1x600x128xf32> to vector<600x128xf32>
    %swap3A_141 = vector.shape_cast %min3A_135 : vector<600x128xf32> to vector<1x600x128xf32>
    tpu.vector_store %arg2[%swap3A_136, %swap3A_137, %swap3A_138], %swap3A_141 {strides = array<i32>} : memref<6x600x128xf32, #tpu.memory_space<vmem>>, vector<1x600x128xf32>,
    %swap3A_142 = arith.constant 4 : index
    %swap3A_143 = arith.constant 0 : index
    %swap3A_144 = arith.constant 0 : index
    %swap3A_145 = vector.load %arg2[%swap3A_142, %swap3A_143, %swap3A_144] : memref<6x600x128xf32, #tpu.memory_space<vmem>>, vector<1x600x128xf32>
    %swap3A_146 = vector.shape_cast %swap3A_145 : vector<1x600x128xf32> to vector<600x128xf32>
    %swap3A_147 = vector.shape_cast %add3A_14 : vector<600x128xf32> to vector<1x600x128xf32>
    tpu.vector_store %arg2[%swap3A_142, %swap3A_143, %swap3A_144], %swap3A_147 {strides = array<i32>} : memref<6x600x128xf32, #tpu.memory_space<vmem>>, vector<1x600x128xf32>,
    %swap3A_148 = arith.constant 5 : index
    %swap3A_149 = arith.constant 0 : index
    %swap3A_150 = arith.constant 0 : index
    %swap3A_151 = vector.load %arg2[%swap3A_148, %swap3A_149, %swap3A_150] : memref<6x600x128xf32, #tpu.memory_space<vmem>>, vector<1x600x128xf32>
    %swap3A_152 = vector.shape_cast %swap3A_151 : vector<1x600x128xf32> to vector<600x128xf32>
    %swap3A_153 = vector.shape_cast %convert_element_type3A_15 : vector<600x128xf32> to vector<1x600x128xf32>
    tpu.vector_store %arg2[%swap3A_148, %swap3A_149, %swap3A_150], %swap3A_153 {strides = array<i32>} : memref<6x600x128xf32, #tpu.memory_space<vmem>>, vector<1x600x128xf32>,
    %swap3A_154 = arith.constant 0 : index
    %swap3A_155 = arith.constant 0 : index
    %swap3A_156 = vector.load %arg3[%swap3A_154, %swap3A_155] : memref<600x128xi32, #tpu.memory_space<vmem>>, vector<600x128xi32>
    tpu.vector_store %arg3[%swap3A_154, %swap3A_155], %select_n3A_22 {strides = array<i32>} : memref<600x128xi32, #tpu.memory_space<vmem>>, vector<600x128xi32>,
    %ge3A_157 = arith.constant 0 : i32
    %ge3A_158 = vector.broadcast %ge3A_157 : i32 to vector<600x128xi32>
    %ge3A_159 = arith.cmpi sge, %select_n3A_22, %ge3A_158 : vector<600x128xi32>
    %convert_element_type3A_160 = arith.extui %ge3A_159 : vector<600x128xi1> to vector<600x128xi32>
    %reduce_sum3A = vector.shape_cast %convert_element_type3A_160 : vector<600x128xi32> to vector<1x600x128xi32>
    %reduce_sum3A_161 = arith.constant dense<0> : vector<1xi32>
    %reduce_sum3A_162 = vector.multi_reduction <add>, %reduce_sum3A, %reduce_sum3A_161 [1, 2] : vector<1x600x128xi32> to vector<1xi32>
    %reduce_sum3A_163 = vector.shape_cast %reduce_sum3A_162 : vector<1xi32> to vector<1x1x1xi32>
    %reduce_sum3A_164 = vector.extract %reduce_sum3A_163[0, 0, 0] : i32 from vector<1x1x1xi32>
    %ge3A_165 = arith.constant 1000 : i32
    %ge3A_166 = arith.cmpi sge, %reduce_sum3A_164, %ge3A_165 : i32
    %jit3A_167 = arith.constant 0 : i32
    %jit3A_168 = arith.constant -2147483648 : i32
    %select_n3A_169 = arith.select %ge3A_166, %jit3A_167, %jit3A_168 : i32
    %scan3A = arith.constant 0 : i32
    %scan3A_170 = arith.constant 31 : i32
    %scan3A_171 = arith.addi %scan3A, %scan3A_170 : i32
    %scan3A_172 = arith.constant 1 : i32
    %scan3A_173 = scf.for %scan3A_203 = %scan3A to %scan3A_171 step %scan3A_172 iter_args(%scan3A_204 = %select_n3A_169) -> (i32)  : i32 {
      %sub3A_205 = arith.constant 30 : i32
      %sub3A_206 = arith.subi %sub3A_205, %scan3A_203 : i32
      %shift_left3A = arith.constant 1 : i32
      %shift_left3A_207 = arith.shli %shift_left3A, %sub3A_206 : i32
      %add3A_208 = arith.addi %scan3A_204, %shift_left3A_207 : i32
      %ge3A_209 = vector.broadcast %add3A_208 : i32 to vector<600x128xi32>
      %ge3A_210 = arith.cmpi sge, %select_n3A_22, %ge3A_209 : vector<600x128xi32>
      %convert_element_type3A_211 = arith.extui %ge3A_210 : vector<600x128xi1> to vector<600x128xi32>
      %reduce_sum3A_212 = vector.shape_cast %convert_element_type3A_211 : vector<600x128xi32> to vector<1x600x128xi32>
      %reduce_sum3A_213 = arith.constant dense<0> : vector<1xi32>
      %reduce_sum3A_214 = vector.multi_reduction <add>, %reduce_sum3A_212, %reduce_sum3A_213 [1, 2] : vector<1x600x128xi32> to vector<1xi32>
      %reduce_sum3A_215 = vector.shape_cast %reduce_sum3A_214 : vector<1xi32> to vector<1x1x1xi32>
      %reduce_sum3A_216 = vector.extract %reduce_sum3A_215[0, 0, 0] : i32 from vector<1x1x1xi32>
      %ge3A_217 = arith.constant 1000 : i32
      %ge3A_218 = arith.cmpi sge, %reduce_sum3A_216, %ge3A_217 : i32
      %select_n3A_219 = arith.select %ge3A_218, %add3A_208, %scan3A_204 : i32
      scf.yield %select_n3A_219 : i32
    }
    %scan3A_174 = arith.constant 31 : i32
    %gt3A_175 = vector.broadcast %scan3A_173 : i32 to vector<600x128xi32>
    %gt3A_176 = arith.cmpi sgt, %select_n3A_22, %gt3A_175 : vector<600x128xi32>
    %convert_element_type3A_177 = arith.extui %gt3A_176 : vector<600x128xi1> to vector<600x128xi32>
    %reduce_sum3A_178 = vector.shape_cast %convert_element_type3A_177 : vector<600x128xi32> to vector<1x600x128xi32>
    %reduce_sum3A_179 = arith.constant dense<0> : vector<1xi32>
    %reduce_sum3A_180 = vector.multi_reduction <add>, %reduce_sum3A_178, %reduce_sum3A_179 [1, 2] : vector<1x600x128xi32> to vector<1xi32>
    %reduce_sum3A_181 = vector.shape_cast %reduce_sum3A_180 : vector<1xi32> to vector<1x1x1xi32>
    %reduce_sum3A_182 = vector.extract %reduce_sum3A_181[0, 0, 0] : i32 from vector<1x1x1xi32>
    %sub3A_183 = arith.constant 1000 : i32
    %sub3A_184 = arith.subi %sub3A_183, %reduce_sum3A_182 : i32
    %eq3A = vector.broadcast %scan3A_173 : i32 to vector<600x128xi32>
    %eq3A_185 = arith.cmpi eq, %select_n3A_22, %eq3A : vector<600x128xi32>
    %scan3A_186 = arith.constant 0 : i32
    %scan3A_187 = arith.constant 76799 : i32
    %scan3A_188 = arith.constant 0 : i32
    %scan3A_189 = arith.constant 17 : i32
    %scan3A_190 = arith.addi %scan3A_188, %scan3A_189 : i32
    %scan3A_191 = arith.constant 1 : i32
    %scan3A_192:2 = scf.for %scan3A_203 = %scan3A_188 to %scan3A_190 step %scan3A_191 iter_args(%scan3A_204 = %scan3A_186, %scan3A_205 = %scan3A_187) -> (i32, i32)  : i32 {
      %add3A_206 = arith.addi %scan3A_204, %scan3A_205 : i32
      %jit3A_207 = arith.constant 2 : i32
      %div3A_208 = arith.divsi %add3A_206, %jit3A_207 : i32
      %sign3A = arith.constant 0 : i32
      %sign3A_209 = arith.cmpi sgt, %add3A_206, %sign3A : i32
      %sign3A_210 = arith.extui %sign3A_209 : i1 to i32
      %sign3A_211 = arith.constant 0 : i32
      %sign3A_212 = arith.cmpi slt, %add3A_206, %sign3A_211 : i32
      %sign3A_213 = arith.extui %sign3A_212 : i1 to i32
      %sign3A_214 = arith.subi %sign3A_210, %sign3A_213 : i32
      %sign3A_215 = arith.constant 0 : i32
      %sign3A_216 = arith.cmpi sgt, %jit3A_207, %sign3A_215 : i32
      %sign3A_217 = arith.extui %sign3A_216 : i1 to i32
      %sign3A_218 = arith.constant 0 : i32
      %sign3A_219 = arith.cmpi slt, %jit3A_207, %sign3A_218 : i32
      %sign3A_220 = arith.extui %sign3A_219 : i1 to i32
      %sign3A_221 = arith.subi %sign3A_217, %sign3A_220 : i32
      %ne3A = arith.cmpi ne, %sign3A_214, %sign3A_221 : i32
      %rem3A = arith.remsi %add3A_206, %jit3A_207 : i32
      %ne3A_222 = arith.constant 0 : i32
      %ne3A_223 = arith.cmpi ne, %rem3A, %ne3A_222 : i32
      %and3A = arith.andi %ne3A, %ne3A_223 : i1
      %sub3A_224 = arith.constant 1 : i32
      %sub3A_225 = arith.subi %div3A_208, %sub3A_224 : i32
      %select_n3A_226 = arith.select %and3A, %sub3A_225, %div3A_208 : i32
      %le3A = vector.broadcast %select_n3A_226 : i32 to vector<600x128xi32>
      %le3A_227 = arith.cmpi sle, %add3A, %le3A : vector<600x128xi32>
      %and3A_228 = arith.andi %eq3A_185, %le3A_227 : vector<600x128xi1>
      %convert_element_type3A_229 = arith.extui %and3A_228 : vector<600x128xi1> to vector<600x128xi32>
      %reduce_sum3A_230 = vector.shape_cast %convert_element_type3A_229 : vector<600x128xi32> to vector<1x600x128xi32>
      %reduce_sum3A_231 = arith.constant dense<0> : vector<1xi32>
      %reduce_sum3A_232 = vector.multi_reduction <add>, %reduce_sum3A_230, %reduce_sum3A_231 [1, 2] : vector<1x600x128xi32> to vector<1xi32>
      %reduce_sum3A_233 = vector.shape_cast %reduce_sum3A_232 : vector<1xi32> to vector<1x1x1xi32>
      %reduce_sum3A_234 = vector.extract %reduce_sum3A_233[0, 0, 0] : i32 from vector<1x1x1xi32>
      %ge3A_235 = arith.cmpi sge, %reduce_sum3A_234, %sub3A_184 : i32
      %add3A_236 = arith.constant 1 : i32
      %add3A_237 = arith.addi %select_n3A_226, %add3A_236 : i32
      %select_n3A_238 = arith.select %ge3A_235, %scan3A_204, %add3A_237 : i32
      %select_n3A_239 = arith.select %ge3A_235, %select_n3A_226, %scan3A_205 : i32
      scf.yield %select_n3A_238, %select_n3A_239 : i32, i32
    }
    %iota3A_193 = tpu.iota {dimensions = array<i32: 0>} : vector<8x128xi32>
    %eq3A_194 = arith.constant 0 : i32
    %eq3A_195 = vector.broadcast %eq3A_194 : i32 to vector<8x128xi32>
    %eq3A_196 = arith.cmpi eq, %iota3A_193, %eq3A_195 : vector<8x128xi32>
    %broadcast_in_dim3A_197 = vector.broadcast %scan3A_173 : i32 to vector<8x128xi32>
    %broadcast_in_dim3A_198 = vector.broadcast %scan3A_192#0 : i32 to vector<8x128xi32>
    %select_n3A_199 = arith.select %eq3A_196, %broadcast_in_dim3A_197, %broadcast_in_dim3A_198 : vector<8x128xi1>, vector<8x128xi32>
    %swap3A_200 = arith.constant 0 : index
    %swap3A_201 = arith.constant 0 : index
    %swap3A_202 = vector.load %arg4[%swap3A_200, %swap3A_201] : memref<8x128xi32, #tpu.memory_space<vmem>>, vector<8x128xi32>
    tpu.vector_store %arg4[%swap3A_200, %swap3A_201], %select_n3A_199 {strides = array<i32>} : memref<8x128xi32, #tpu.memory_space<vmem>>, vector<8x128xi32>,
    return
  }
}

module attributes {stable_mosaic.version = 14 : i64} {
  func.func @_nms_kernel(%arg0: memref<6x8x128xf32, #tpu.memory_space<vmem>>, %arg1: memref<1024xf32, #tpu.memory_space<smem>>, %arg2: memref<1024xf32, #tpu.memory_space<smem>>, %arg3: memref<1024xf32, #tpu.memory_space<smem>>, %arg4: memref<1024xf32, #tpu.memory_space<smem>>, %arg5: memref<1024xf32, #tpu.memory_space<smem>>, %arg6: memref<128x4xf32, #tpu.memory_space<vmem>>, %arg7: memref<128x4xf32, #tpu.memory_space<vmem>>) attributes {dimension_semantics = [], scalar_prefetch = 0 : i64, scratch_operands = 0 : i64, tpu.core_type = #tpu.core_type<tc>} {
    %iota3A = tpu.iota {dimensions = array<i32: 0>} : vector<8x128xi32>
    %iota3A_0 = tpu.iota {dimensions = array<i32: 1>} : vector<8x128xi32>
    %mul3A = arith.constant 128 : i32
    %mul3A_1 = vector.broadcast %mul3A : i32 to vector<8x128xi32>
    %mul3A_2 = arith.muli %iota3A, %mul3A_1 : vector<8x128xi32>
    %add3A = arith.addi %mul3A_2, %iota3A_0 : vector<8x128xi32>
    %get3A = arith.constant 0 : index
    %get3A_3 = arith.constant 0 : index
    %get3A_4 = arith.constant 0 : index
    %get3A_5 = vector.load %arg0[%get3A, %get3A_3, %get3A_4] : memref<6x8x128xf32, #tpu.memory_space<vmem>>, vector<1x8x128xf32>
    %get3A_6 = vector.shape_cast %get3A_5 : vector<1x8x128xf32> to vector<8x128xf32>
    %get3A_7 = arith.constant 1 : index
    %get3A_8 = arith.constant 0 : index
    %get3A_9 = arith.constant 0 : index
    %get3A_10 = vector.load %arg0[%get3A_7, %get3A_8, %get3A_9] : memref<6x8x128xf32, #tpu.memory_space<vmem>>, vector<1x8x128xf32>
    %get3A_11 = vector.shape_cast %get3A_10 : vector<1x8x128xf32> to vector<8x128xf32>
    %get3A_12 = arith.constant 2 : index
    %get3A_13 = arith.constant 0 : index
    %get3A_14 = arith.constant 0 : index
    %get3A_15 = vector.load %arg0[%get3A_12, %get3A_13, %get3A_14] : memref<6x8x128xf32, #tpu.memory_space<vmem>>, vector<1x8x128xf32>
    %get3A_16 = vector.shape_cast %get3A_15 : vector<1x8x128xf32> to vector<8x128xf32>
    %get3A_17 = arith.constant 3 : index
    %get3A_18 = arith.constant 0 : index
    %get3A_19 = arith.constant 0 : index
    %get3A_20 = vector.load %arg0[%get3A_17, %get3A_18, %get3A_19] : memref<6x8x128xf32, #tpu.memory_space<vmem>>, vector<1x8x128xf32>
    %get3A_21 = vector.shape_cast %get3A_20 : vector<1x8x128xf32> to vector<8x128xf32>
    %get3A_22 = arith.constant 4 : index
    %get3A_23 = arith.constant 0 : index
    %get3A_24 = arith.constant 0 : index
    %get3A_25 = vector.load %arg0[%get3A_22, %get3A_23, %get3A_24] : memref<6x8x128xf32, #tpu.memory_space<vmem>>, vector<1x8x128xf32>
    %get3A_26 = vector.shape_cast %get3A_25 : vector<1x8x128xf32> to vector<8x128xf32>
    %sub3A = arith.subf %get3A_16, %get3A_6 : vector<8x128xf32>
    %sub3A_27 = arith.subf %get3A_21, %get3A_11 : vector<8x128xf32>
    %mul3A_28 = arith.mulf %sub3A, %sub3A_27 : vector<8x128xf32>
    %lt3A = arith.constant 1000 : i32
    %lt3A_29 = vector.broadcast %lt3A : i32 to vector<8x128xi32>
    %lt3A_30 = arith.cmpi slt, %add3A, %lt3A_29 : vector<8x128xi32>
    %ge3A = arith.constant 5.000000e-01 : f32
    %ge3A_31 = vector.broadcast %ge3A : f32 to vector<8x128xf32>
    %ge3A_32 = arith.cmpf oge, %get3A_26, %ge3A_31 : vector<8x128xf32>
    %and3A = arith.andi %lt3A_30, %ge3A_32 : vector<8x128xi1>
    %jit3A = arith.constant 0xFF800000 : f32
    %broadcast_in_dim3A = vector.broadcast %jit3A : f32 to vector<8x128xf32>
    %select_n3A = arith.select %and3A, %get3A_26, %broadcast_in_dim3A : vector<8x128xi1>, vector<8x128xf32>
    %scan3A = arith.constant 0 : i32
    %scan3A_33 = arith.constant 100 : i32
    %scan3A_34 = arith.addi %scan3A, %scan3A_33 : i32
    %scan3A_35 = arith.constant 1 : i32
    %scan3A_36 = scf.for %scan3A_38 = %scan3A to %scan3A_34 step %scan3A_35 iter_args(%scan3A_39 = %select_n3A) -> (vector<8x128xf32>)  : i32 {
      %reduce_max3A = vector.shape_cast %scan3A_39 : vector<8x128xf32> to vector<1x8x128xf32>
      %reduce_max3A_40 = arith.constant dense<0xFF800000> : vector<1xf32>
      %reduce_max3A_41 = vector.multi_reduction <maximumf>, %reduce_max3A, %reduce_max3A_40 [1, 2] : vector<1x8x128xf32> to vector<1xf32>
      %reduce_max3A_42 = vector.shape_cast %reduce_max3A_41 : vector<1xf32> to vector<1x1x1xf32>
      %reduce_max3A_43 = vector.extract %reduce_max3A_42[0, 0, 0] : f32 from vector<1x1x1xf32>
      %gt3A = arith.constant 0xFF800000 : f32
      %gt3A_44 = arith.cmpf ogt, %reduce_max3A_43, %gt3A : f32
      %eq3A = vector.broadcast %reduce_max3A_43 : f32 to vector<8x128xf32>
      %eq3A_45 = arith.cmpf oeq, %scan3A_39, %eq3A : vector<8x128xf32>
      %jit3A_46 = arith.constant 1073741824 : i32
      %broadcast_in_dim3A_47 = vector.broadcast %jit3A_46 : i32 to vector<8x128xi32>
      %select_n3A_48 = arith.select %eq3A_45, %add3A, %broadcast_in_dim3A_47 : vector<8x128xi1>, vector<8x128xi32>
      %reduce_min3A = vector.shape_cast %select_n3A_48 : vector<8x128xi32> to vector<1x8x128xi32>
      %reduce_min3A_49 = arith.constant dense<2147483647> : vector<1xi32>
      %reduce_min3A_50 = vector.multi_reduction <minsi>, %reduce_min3A, %reduce_min3A_49 [1, 2] : vector<1x8x128xi32> to vector<1xi32>
      %reduce_min3A_51 = vector.shape_cast %reduce_min3A_50 : vector<1xi32> to vector<1x1x1xi32>
      %reduce_min3A_52 = vector.extract %reduce_min3A_51[0, 0, 0] : i32 from vector<1x1x1xi32>
      %eq3A_53 = vector.broadcast %reduce_min3A_52 : i32 to vector<8x128xi32>
      %eq3A_54 = arith.cmpi eq, %add3A, %eq3A_53 : vector<8x128xi32>
      %get3A_55 = arith.index_cast %reduce_min3A_52 : i32 to index
      %get3A_56 = memref.load %arg1[%get3A_55] : memref<1024xf32, #tpu.memory_space<smem>>
      %get3A_57 = arith.index_cast %reduce_min3A_52 : i32 to index
      %get3A_58 = memref.load %arg2[%get3A_57] : memref<1024xf32, #tpu.memory_space<smem>>
      %get3A_59 = arith.index_cast %reduce_min3A_52 : i32 to index
      %get3A_60 = memref.load %arg3[%get3A_59] : memref<1024xf32, #tpu.memory_space<smem>>
      %get3A_61 = arith.index_cast %reduce_min3A_52 : i32 to index
      %get3A_62 = memref.load %arg4[%get3A_61] : memref<1024xf32, #tpu.memory_space<smem>>
      %get3A_63 = arith.index_cast %reduce_min3A_52 : i32 to index
      %get3A_64 = memref.load %arg5[%get3A_63] : memref<1024xf32, #tpu.memory_space<smem>>
      %sub3A_65 = arith.subf %get3A_60, %get3A_56 : f32
      %sub3A_66 = arith.subf %get3A_62, %get3A_58 : f32
      %mul3A_67 = arith.mulf %sub3A_65, %sub3A_66 : f32
      %max3A = vector.broadcast %get3A_56 : f32 to vector<8x128xf32>
      %max3A_68 = arith.maximumf %max3A, %get3A_6 : vector<8x128xf32>
      %max3A_69 = vector.broadcast %get3A_58 : f32 to vector<8x128xf32>
      %max3A_70 = arith.maximumf %max3A_69, %get3A_11 : vector<8x128xf32>
      %min3A = vector.broadcast %get3A_60 : f32 to vector<8x128xf32>
      %min3A_71 = arith.minimumf %min3A, %get3A_16 : vector<8x128xf32>
      %min3A_72 = vector.broadcast %get3A_62 : f32 to vector<8x128xf32>
      %min3A_73 = arith.minimumf %min3A_72, %get3A_21 : vector<8x128xf32>
      %sub3A_74 = arith.subf %min3A_71, %max3A_68 : vector<8x128xf32>
      %max3A_75 = arith.constant 0.000000e+00 : f32
      %max3A_76 = vector.broadcast %max3A_75 : f32 to vector<8x128xf32>
      %max3A_77 = arith.maximumf %sub3A_74, %max3A_76 : vector<8x128xf32>
      %sub3A_78 = arith.subf %min3A_73, %max3A_70 : vector<8x128xf32>
      %max3A_79 = arith.constant 0.000000e+00 : f32
      %max3A_80 = vector.broadcast %max3A_79 : f32 to vector<8x128xf32>
      %max3A_81 = arith.maximumf %sub3A_78, %max3A_80 : vector<8x128xf32>
      %mul3A_82 = arith.mulf %max3A_77, %max3A_81 : vector<8x128xf32>
      %add3A_83 = vector.broadcast %mul3A_67 : f32 to vector<8x128xf32>
      %add3A_84 = arith.addf %add3A_83, %mul3A_28 : vector<8x128xf32>
      %sub3A_85 = arith.subf %add3A_84, %mul3A_82 : vector<8x128xf32>
      %max3A_86 = arith.constant 9.99999993E-9 : f32
      %max3A_87 = vector.broadcast %max3A_86 : f32 to vector<8x128xf32>
      %max3A_88 = arith.maximumf %sub3A_85, %max3A_87 : vector<8x128xf32>
      %div3A = arith.divf %mul3A_82, %max3A_88 : vector<8x128xf32>
      %gt3A_89 = arith.constant 5.000000e-01 : f32
      %gt3A_90 = vector.broadcast %gt3A_89 : f32 to vector<8x128xf32>
      %gt3A_91 = arith.cmpf ogt, %div3A, %gt3A_90 : vector<8x128xf32>
      %or3A = arith.ori %gt3A_91, %eq3A_54 : vector<8x128xi1>
      %jit3A_92 = arith.constant 0xFF800000 : f32
      %broadcast_in_dim3A_93 = vector.broadcast %jit3A_92 : f32 to vector<8x128xf32>
      %select_n3A_94 = arith.select %or3A, %broadcast_in_dim3A_93, %scan3A_39 : vector<8x128xi1>, vector<8x128xf32>
      %convert_element_type3A = arith.extui %gt3A_44 : i1 to i32
      %convert_element_type3A_95 = arith.sitofp %convert_element_type3A : i32 to f32
      %jit3A_96 = arith.constant 0.000000e+00 : f32
      %select_n3A_97 = arith.select %gt3A_44, %get3A_56, %jit3A_96 : f32
      %reshape3A = vector.broadcast %select_n3A_97 : f32 to vector<1x1xf32>
      %jit3A_98 = arith.constant 0.000000e+00 : f32
      %select_n3A_99 = arith.select %gt3A_44, %get3A_58, %jit3A_98 : f32
      %reshape3A_100 = vector.broadcast %select_n3A_99 : f32 to vector<1x1xf32>
      %jit3A_101 = arith.constant 0.000000e+00 : f32
      %select_n3A_102 = arith.select %gt3A_44, %get3A_60, %jit3A_101 : f32
      %reshape3A_103 = vector.broadcast %select_n3A_102 : f32 to vector<1x1xf32>
      %jit3A_104 = arith.constant 0.000000e+00 : f32
      %select_n3A_105 = arith.select %gt3A_44, %get3A_62, %jit3A_104 : f32
      %reshape3A_106 = vector.broadcast %select_n3A_105 : f32 to vector<1x1xf32>
      %concatenate3A = tpu.concatenate %reshape3A, %reshape3A_100, %reshape3A_103, %reshape3A_106 in 1 : vector<1x1xf32>, vector<1x1xf32>, vector<1x1xf32>, vector<1x1xf32> -> vector<1x4xf32>
      %swap3A = arith.index_cast %scan3A_38 : i32 to index
      %swap3A_107 = arith.constant 0 : index
      %swap3A_108 = vector.load %arg6[%swap3A, %swap3A_107] : memref<128x4xf32, #tpu.memory_space<vmem>>, vector<1x4xf32>
      tpu.vector_store %arg6[%swap3A, %swap3A_107], %concatenate3A {strides = array<i32>} : memref<128x4xf32, #tpu.memory_space<vmem>>, vector<1x4xf32>,
      %jit3A_109 = arith.constant -1.000000e+00 : f32
      %select_n3A_110 = arith.select %gt3A_44, %get3A_64, %jit3A_109 : f32
      %reshape3A_111 = vector.broadcast %select_n3A_110 : f32 to vector<1x1xf32>
      %jit3A_112 = arith.constant 0.000000e+00 : f32
      %select_n3A_113 = arith.select %gt3A_44, %reduce_max3A_43, %jit3A_112 : f32
      %reshape3A_114 = vector.broadcast %select_n3A_113 : f32 to vector<1x1xf32>
      %reshape3A_115 = vector.broadcast %convert_element_type3A_95 : f32 to vector<1x1xf32>
      %broadcast_in_dim3A_116 = arith.constant 0.000000e+00 : f32
      %broadcast_in_dim3A_117 = vector.broadcast %broadcast_in_dim3A_116 : f32 to vector<1x1xf32>
      %concatenate3A_118 = tpu.concatenate %reshape3A_111, %reshape3A_114, %reshape3A_115, %broadcast_in_dim3A_117 in 1 : vector<1x1xf32>, vector<1x1xf32>, vector<1x1xf32>, vector<1x1xf32> -> vector<1x4xf32>
      %swap3A_119 = arith.index_cast %scan3A_38 : i32 to index
      %swap3A_120 = arith.constant 0 : index
      %swap3A_121 = vector.load %arg7[%swap3A_119, %swap3A_120] : memref<128x4xf32, #tpu.memory_space<vmem>>, vector<1x4xf32>
      tpu.vector_store %arg7[%swap3A_119, %swap3A_120], %concatenate3A_118 {strides = array<i32>} : memref<128x4xf32, #tpu.memory_space<vmem>>, vector<1x4xf32>,
      scf.yield %select_n3A_94 : vector<8x128xf32>
    }
    %scan3A_37 = arith.constant 100 : i32
    return
  }
}

</mosaic_0001>

<sc_bundles>
// kernel: kernel.5.cloned.1.call-start
scs
__scs_entry_jumppad:
0x0: {  	(pc) =	sbr.rel $0x88, $3  }
0x1: {  	(tag) =	ssettag $0x0;
	lr =	simm.s32 $0x1  }
0x2: {  	[smem:$0x3F9F] =	sst lr;
	_ =	strace $0xD0000000  }
0x3: {  	_ = 	snop  }
0x4: {  	_ = 	snop  }
0x5: {  	_ = 	snop  }
0x6: {  	_ = 	snop  }
0x7: {  	_ = 	snop  }
__scs_overlays_trampoline_lowered:
0x8: {  	[smem:$0x3FAE] =	sst s0  }
0x9: {  	[smem:$0x3FAF] =	sst s1  }
0xa: {  	[smem:$0x3FB0] =	sst s2  }
0xb: {  	[smem:$0x3FB1] =	sst s3  }
0xc: {  	[smem:$0x3FB2] =	sst s4  }
0xd: {  	[smem:$0x3FB3] =	sst s5  }
0xe: {  	[smem:$0x3FB4] =	sst s6  }
0xf: {  	[smem:$0x3FB5] =	sst s7  }
0x10: {  	[smem:$0x3FB6] =	sst s8  }
0x11: {  	[smem:$0x3FB7] =	sst s9;
	s0 =	simm.s32 @!p0 $0x0  }
0x12: {  	s1 =	sld [smem:$0x3F9D];
	s0 =	simm.s32 @p0 $0x1  }
0x13: {  	[smem:$0x3FB8] =	sst s0;
	s0 =	simm.s32 @!p1 $0x0  }
0x14: {  	s2 =	sld [smem:$0x3F9C];
	s0 =	simm.s32 @p1 $0x1  }
0x15: {  	[smem:$0x3FB9] =	sst s0;
	s0 =	simm.s32 @!p2 $0x0  }
0x16: {  	s3 =	sld [smem:$0x3FDB];
	s0 =	simm.s32 @p2 $0x1  }
0x17: {  	s4 =	simm.s32 $0x1BF5;
	[smem:$0x3FBB] =	sst s0  }
0x18: {  	s0 =	sld [smem:$0x3F9E];
	_ =	swait.ge [sflag:s4], $0x0  }
0x19: {  	s7 =	sld [smem:$0x3F9F]  }
0x1a: {  	s8 =	sadd.s32 $0xFFFFE003, lr  }
0x1b: {  	s9 =	sadd.s32 $0xFFFFFEF7, lr;
	s5 =	simm.s32 $0xFFFFFFFF;
	p2 =	slt.u32 s8, $0xFFFFF086  }
0x1c: {  	p1 =	slt.u32 s9, $0xF7A;
	s5 =	simm.s32 @!p2 $0x0  }
0x1d: {  	s5 =	simm.s32 @p1 $0x1;
	p0 =	seq.s32 s7, s2  }
0x1e: {  	s7 =	smul.u32 @!p0 $0xF7A, s2;
	p2 =	seq.s32 @!p0 s5, $0x0  }
0x1f: {  	s9 =	smul.u32 $0xF7A, s1;
	s8 =	simm.s32 @!p0 $0x1BF5;
	p2 =	por !p2, p0  }
0x20: {  	[sflag:s8] =	ssyncset.s32 @!p0 $0xFFFFF086;
	s6 =	sadd.s32 @!p0 s3, s7;
	s7 =	simm.s32 @!p0 $0x108  }
0x21: {  	s3 =	sadd.s32 s3, s9;
	s6 =	sadd.s32 @!p0 $0x88, s6;
	s7 =	simm.s32 @p2 $0x1082  }
0x22: {  	[simem:s7], [sflag:s8] =	dma.local @!p0 [hbm:s6], $0xF7A  }
0x23: {  	s9 =	sor.u32 $0xD0000000, s2;
	s6 =	simm.s32 $0x108;
	_ =	swait.ge @!p0 [sflag:s8], $0x0  }
0x24: {  	s3 =	sadd.s32 $0x88, s3;
	s6 =	simm.s32 @!p1 $0x1082;
	[sflag:s4] =	ssyncset.s32 $0xFFFFF086  }
0x25: {  	[simem:s6], [sflag:s4] =	dma.local [hbm:s3], $0xF7A  }
0x26: {  	[smem:$0x3F9F] =	sst s1;
	(tag) =	ssettag s2;
	_ =	strace s9  }
0x27: {  	s1 =	sld [smem:$0x3FAF]  }
0x28: {  	s2 =	sld [smem:$0x3FB0]  }
0x29: {  	s4 =	sld [smem:$0x3FB2]  }
0x2a: {  	p0 =	seq.s32 s5, $0x0;
	s5 =	sld [smem:$0x3FB3]  }
0x2b: {  	s6 =	sld [smem:$0x3FB4]  }
0x2c: {  	s7 =	sld [smem:$0x3FB5]  }
0x2d: {  	s3 =	simm.s32 $0x108;
	s8 =	sld [smem:$0x3FB6]  }
0x2e: {  	s3 =	simm.s32 @!p0 $0x1082;
	s9 =	sld [smem:$0x3FB7]  }
0x2f: {  	lr =	sadd.s32 s0, s3;
	s0 =	sld [smem:$0x3FAE]  }
0x30: {  	s3 =	sld [smem:$0x3FB1]  }
0x31: {  	[smem:$0x3FBA] =	sst s10  }
0x32: {  	s10 =	sld [smem:$0x3FB8];
	_ =	sdelay $0x3  }
0x33: {  	p0 =	seq.s32 s10, $0x1;
	s10 =	sld [smem:$0x3FBA];
	_ =	sdelay $0x3  }
0x34: {  	[smem:$0x3FBA] =	sst s10  }
0x35: {  	s10 =	sld [smem:$0x3FB9];
	_ =	sdelay $0x3  }
0x36: {  	p1 =	seq.s32 s10, $0x1;
	s10 =	sld [smem:$0x3FBA];
	_ =	sdelay $0x3  }
0x37: {  	[smem:$0x3FBA] =	sst s10  }
0x38: {  	s10 =	sld [smem:$0x3FBB]  }
0x39: {  	_ = 	snop;
	(pc) =	sbr.ind lr, $3  }
0x3a: {  	_ = 	snop  }
0x3b: {  	_ = 	snop  }
0x3c: {  	p2 =	seq.s32 s10, $0x1;
	s10 =	sld [smem:$0x3FBA]  }
0x3d: {  	_ =	shalt  }
0x3e: {  	_ =	shalt  }
0x3f: {  	_ =	shalt  }
0x40: {  	_ =	shalt  }
0x41: {  	_ =	shalt  }
0x42: {  	_ =	shalt  }
0x43: {  	_ =	shalt  }
0x44: {  	_ =	shalt  }
0x45: {  	_ =	shalt  }
0x46: {  	_ =	shalt  }
0x47: {  	_ =	shalt  }
0x48: {  	_ =	shalt  }
0x49: {  	_ =	shalt  }
0x4a: {  	_ =	shalt  }
0x4b: {  	_ =	shalt  }
0x4c: {  	_ =	shalt  }
0x4d: {  	_ =	shalt  }
0x4e: {  	_ =	shalt  }
0x4f: {  	_ =	shalt  }
0x50: {  	_ =	shalt  }
0x51: {  	_ =	shalt  }
0x52: {  	_ =	shalt  }
0x53: {  	_ =	shalt  }
0x54: {  	_ =	shalt  }
0x55: {  	_ =	shalt  }
0x56: {  	_ =	shalt  }
0x57: {  	_ =	shalt  }
0x58: {  	_ =	shalt  }
0x59: {  	_ =	shalt  }
0x5a: {  	_ =	shalt  }
0x5b: {  	_ =	shalt  }
0x5c: {  	_ =	shalt  }
0x5d: {  	_ =	shalt  }
0x5e: {  	_ =	shalt  }
0x5f: {  	_ =	shalt  }
0x60: {  	_ =	shalt  }
0x61: {  	_ =	shalt  }
0x62: {  	_ =	shalt  }
0x63: {  	_ =	shalt  }
0x64: {  	_ =	shalt  }
0x65: {  	_ =	shalt  }
0x66: {  	_ =	shalt  }
0x67: {  	_ =	shalt  }
0x68: {  	_ =	shalt  }
0x69: {  	_ =	shalt  }
0x6a: {  	_ =	shalt  }
0x6b: {  	_ =	shalt  }
0x6c: {  	_ =	shalt  }
0x6d: {  	_ =	shalt  }
0x6e: {  	_ =	shalt  }
0x6f: {  	_ =	shalt  }
0x70: {  	_ =	shalt  }
0x71: {  	_ =	shalt  }
0x72: {  	_ =	shalt  }
0x73: {  	_ =	shalt  }
0x74: {  	_ =	shalt  }
0x75: {  	_ =	shalt  }
0x76: {  	_ =	shalt  }
0x77: {  	_ =	shalt  }
0x78: {  	_ =	shalt  }
0x79: {  	_ =	shalt  }
0x7a: {  	_ =	shalt  }
0x7b: {  	_ =	shalt  }
0x7c: {  	_ =	shalt  }
0x7d: {  	_ =	shalt  }
0x7e: {  	_ =	shalt  }
0x7f: {  	_ =	shalt  }
0x80: {  	_ =	shalt  }
0x81: {  	_ =	shalt  }
0x82: {  	_ =	shalt  }
0x83: {  	_ =	shalt  }
0x84: {  	_ =	shalt  }
0x85: {  	_ =	shalt  }
0x86: {  	_ =	shalt  }
0x87: {  	_ =	shalt  }
.Lfunc_end0:
.L_simem_size_0:
called_computation_lowered:
.L_overlay_start_0:
0x88: {  	s0 =	sld [smem:$0x3FD9]  }
0x89: {  	s1 =	sld [smem:$0x3FFE];
	_ =	sdelay $0x3  }
0x8a: {  	s0 =	sadd.s32 s1, s0  }
0x8b: {  	[smem:$0x3FC6] =	sst s0  }
0x8c: {  	_ = 	snop  }
0x8d: {  	s0 =	sld [smem:$0x3FD0];
	_ =	sdelay $0x2  }
0x8e: {  	s13 =	simm.s32 $0xA;
	s2 =	simm.s32 $0x10  }
0x8f: {  	[smem:s2], [sflag:s13] =	dma.local [hbm:s0], $0x1  }
0x90: {  	_ =	swait.eq [sflag:s13], $0x1  }
0x91: {  	[sflag:s13] =	ssyncset.done $0x0  }
0x92: {  	s14 =	sld [smem:$0x11];
	[sflag:s13] =	ssyncadd.s32 $0xFFFFFFFF  }
0x93: {  	s15 =	sld [smem:$0x12];
	(tm) =	ssettm $0x1  }
0x94: {  	s16 =	sld [smem:$0x3FFB];
	_ =	sdelay $0x3  }
0x95: {  	_ =	strace s16  }
0x96: {  	s2 =	sld [smem:$0x3FFC];
	_ =	sdelay $0x3  }
0x97: {  	_ =	strace s2  }
0x98: {  	s2 =	sld [smem:$0x3FFD];
	_ =	sdelay $0x3  }
0x99: {  	_ =	strace s2  }
0x9a: {  	_ =	strace $0x8FFFFFFF  }
0x9b: {  	s17 =	sld [smem:$0x3FDB];
	_ =	sdelay $0x1  }
0x9c: {  	s3 =	simm.s32 $_scs_section_size  }
0x9d: {  	s4 =	simm.s32 $_size__tile_overlayer_lowered;
	s5 =	simm.s32 $_tile_overlayer_lowered  }
0x9e: {  	s20 =	simm.s32 $0x1BFF;
	s19 =	sshll.u32 s5, $0x1;
	s2 =	sadd.s32 s3, s17  }
0x9f: {  	s6 =	simm.s32 $0x0;
	s18 =	sshll.u32 s4, $0x1;
	s4 =	sadd.s32 s19, s2  }
0xa0: {  	[timem:s6], [sflag:s20] =	dma.local [hbm:s4], s18  }
0xa1: {  	_ =	swait.ge [sflag:s20], s18  }
0xa2: {  	s3 =	ssub.s32 $0x0, s18;
	[sflag:s20] =	ssyncset.done $0x0  }
0xa3: {  	[sflag:s20] =	ssyncadd.s32 s3;
	_ =	sdelay $0x1  }
0xa4: {  	s21 =	simm.s32 $0x1B8B  }
0xa5: {  	_ =	swait.ge [sflag:s21], $0x1  }
0xa6: {  	[sflag:s21] =	ssyncset.done $0x0  }
0xa7: {  	s23 =	simm.s32 $0x1B8E;
	s22 =	sld [smem:$0x3FFE];
	[sflag:s21] =	ssyncadd.s32 $0xFFFFFFFF  }
0xa8: {  	s24 =	simm.s32 $execute0_lowered;
	[smem:$0x3FD2] =	sst s23  }
0xa9: {  	s4 =	sshll.u32 s24, $0x1;
	_ =	strace $0x80000046;
	[dreg:$0x1] =	wrdreg $0xFFFFFFFF  }
0xaa: {  	s25 =	simm.s32 $_size_execute0_lowered;
	s2 =	sadd.s32 s2, s4;
	[dreg:$0x0] =	wrdreg $0x0  }
0xab: {  	s4 =	sshll.u32 s25, $0x1;
	[dreg:$0x2] =	wrdreg s2  }
0xac: {  	[dreg:$0x3] =	wrdreg s4  }
0xad: {  	[dreg:$0x4] =	wrdreg $0xC0  }
0xae: {  	_ =	task [dreg:s6], $0x5FFFF  }
0xaf: {  	[dreg:$0x1] =	wrdreg $0xFFFFFFFF  }
0xb0: {  	[dreg:$0x0] =	wrdreg $0x60  }
0xb1: {  	[dreg:$0x2] =	wrdreg s22  }
0xb2: {  	[dreg:$0x3] =	wrdreg s14  }
0xb3: {  	[dreg:$0x4] =	wrdreg s15  }
0xb4: {  	[dreg:$0x5] =	wrdreg $0xF7000  }
0xb5: {  	[dreg:$0x6] =	wrdreg $0x9  }
0xb6: {  	_ =	task.clear_ibuf [dreg:s6], $0x7FFFF;
	_ =	strace $0x90000046  }
0xb7: {  	s26 =	simm.s32 $0x9;
	_ =	strace $0x80000048  }
0xb8: {  	_ =	swait.ge [sflag:s26], $0x1  }
0xb9: {  	[sflag:s26] =	ssyncadd.s32 $0xFFFFFFFF  }
0xba: {  	_ =	strace $0x90000048  }
0xbb: {  	_ =	sfence  }
0xbc: {  	s28 =	sld [smem:$0x0];
	_ =	sdelay $0x1  }
0xbd: {  	s29 =	srdreg.scid  }
0xbe: {  	s30 =	sshll.u32 s29, $0xD;
	s31 =	sshrl.u32 s29, $0x2  }
0xbf: {  	s1 =	sand.u32 $0x1, s29;
	s2 =	sand.u32 $0x4000, s30;
	s0 =	sadd.s32 s31, s28  }
0xc0: {  	s1 =	sor.u32 s2, s1;
	s0 =	sshll.u32 s0, $0x11  }
0xc1: {  	s0 =	sor.u32 s0, s1  }
0xc2: {  	s0 =	sadd.s32 $0x8F2B, s0  }
0xc3: {  	[sflag:s0] =	ssyncadd.remote.s32 $0x1  }
0xc4: {  	_ =	sfence.sel $0xFFFF  }
0xc5: {  	[dreg:$0x0] =	wrdreg $0xFFFFFFFF;
	(pc) =	sbr.abs _section_cstart, $3  }
0xc6: {  	[dreg:$0x1] =	wrdreg $0xFFFFFFFF  }
0xc7: {  	_ =	task.clear_ibuf [dreg:s6], $0x2FFFF;
	_ =	strace $0x9FFFFFFF  }
0xc8: {  	(tm) =	ssettm $0x7FFFFFFF  }
0xc9: {  	_ =	shalt  }
tec
execute0_lowered:
.L_overlay_start_1:
0x0: {  	(tag) =	ssettag $0x1  }
0x1: {  	s5 =	rddreg [dreg:$0x0];
	s0 =	stileid.u32  }
0x2: {  	s2 =	rddreg [dreg:$0x1];
	s11 =	smul.u32 $0x12C0, s0  }
0x3: {  	s3 =	rddreg [dreg:$0x2]  }
0x4: {  	s8 =	rddreg [dreg:$0x3];
	s9 =	simm.s32 $0x0;
	s4 =	sshrl.u32 s11, $0x3  }
0x5: {  	[smem:$0x7FF] =	sst s9;
	s4 =	sadd.s32 s4, s5  }
0x6: {  	s1 =	rddreg [dreg:$0x4];
	_ =	strace $0x80000047;
	s6 =	sadd.s32 $0xF200, s4  }
0x7: {  	[tilespmem:s9], [sflag:$0x1] =	stream.linear.gather [hbm4b:s6+s9], $0x12C0, $0x38;
	[tilespmem:$0xF710] =	vst v63  }
0x8: {  	s7 =	simm.s32 $0x1300;
	s19 =	sadd.s32 $0x1000, s4  }
0x9: {  	[tilespmem:s7], [sflag:$0x1] =	stream.linear.gather [hbm4b:s19+s9], $0x12C0, $0x38;
	[tilespmem:$0xF710] =	vst v63  }
0xa: {  	s21 =	simm.s32 $0x25C0;
	s20 =	sadd.s32 $0x3580, s4  }
0xb: {  	[tilespmem:s21], [sflag:$0x1] =	stream.linear.gather [hbm4b:s20+s9], $0x12C0, $0x38;
	[tilespmem:$0xF710] =	vst v63  }
0xc: {  	s23 =	simm.s32 $0x3880;
	s22 =	sadd.s32 $0x5B00, s4  }
0xd: {  	[tilespmem:s23], [sflag:$0x1] =	stream.linear.gather [hbm4b:s22+s9], $0x12C0, $0x38;
	[tilespmem:$0xF710] =	vst v63  }
0xe: {  	s25 =	simm.s32 $0x4B40;
	s24 =	sadd.s32 $0x8080, s4  }
0xf: {  	[tilespmem:s25], [sflag:$0x1] =	stream.linear.gather [hbm4b:s24+s9], $0x12C0, $0x38;
	[tilespmem:$0xF710] =	vst v63  }
0x10: {  	s28 =	simm.s32 $0x5E00;
	s26 =	sadd.s32 $0xA600, s4  }
0x11: {  	[tilespmem:s28], [sflag:$0x1] =	stream.linear.gather [hbm4b:s26+s9], $0x12C0, $0x38;
	[tilespmem:$0xF710] =	vst v63  }
0x12: {  	s10 =	simm.s32 $0x70C0;
	s4 =	sadd.s32 $0xCB80, s4  }
0x13: {  	[tilespmem:s10], [sflag:$0x1] =	stream.linear.gather [hbm4b:s4+s9], $0x12C0, $0x38;
	[tilespmem:$0xF710] =	vst v63  }
0x14: {  	s29 =	simm.s32 $0xF480  }
0x15: {  	[tilespmem:s29], [sflag:$0x1] =	stream.linear.gather [hbm4b:s2+s9], $0x80, $0x38;
	[tilespmem:$0xF710] =	vst v63  }
0x16: {  	s30 =	simm.s32 $0xF500;
	s31 =	simm.s32 $0x1  }
0x17: {  	[tilespmem:s30], [sflag:$0x1] =	stream.linear.gather [hbm4b:s3+s9], $0x80, $0x38;
	[tilespmem:$0xF710] =	vst v63  }
0x18: {  	_ =	swait.ge [sflag:s31], $0x12C0  }
0x19: {  	[sflag:s31] =	ssyncset.done $0x0  }
0x1a: {  	[sflag:s31] =	ssyncadd.s32 $0xFFFFED40  }
0x1b: {  	_ =	swait.ge [sflag:s31], $0x12C0  }
0x1c: {  	[sflag:s31] =	ssyncset.done $0x0  }
0x1d: {  	[sflag:s31] =	ssyncadd.s32 $0xFFFFED40  }
0x1e: {  	_ =	swait.ge [sflag:s31], $0x12C0  }
0x1f: {  	[sflag:s31] =	ssyncset.done $0x0  }
0x20: {  	[sflag:s31] =	ssyncadd.s32 $0xFFFFED40  }
0x21: {  	_ =	swait.ge [sflag:s31], $0x12C0  }
0x22: {  	[sflag:s31] =	ssyncset.done $0x0  }
0x23: {  	[sflag:s31] =	ssyncadd.s32 $0xFFFFED40  }
0x24: {  	_ =	swait.ge [sflag:s31], $0x12C0  }
0x25: {  	[sflag:s31] =	ssyncset.done $0x0  }
0x26: {  	[sflag:s31] =	ssyncadd.s32 $0xFFFFED40  }
0x27: {  	_ =	swait.ge [sflag:s31], $0x12C0  }
0x28: {  	[sflag:s31] =	ssyncset.done $0x0  }
0x29: {  	[sflag:s31] =	ssyncadd.s32 $0xFFFFED40  }
0x2a: {  	_ =	swait.ge [sflag:s31], $0x12C0  }
0x2b: {  	[sflag:s31] =	ssyncset.done $0x0  }
0x2c: {  	[sflag:s31] =	ssyncadd.s32 $0xFFFFED40  }
0x2d: {  	_ =	swait.ge [sflag:s31], $0x80  }
0x2e: {  	[sflag:s31] =	ssyncset.done $0x0  }
0x2f: {  	[sflag:s31] =	ssyncadd.s32 $0xFFFFFF80  }
0x30: {  	_ =	swait.ge [sflag:s31], $0x80  }
0x31: {  	[sflag:s31] =	ssyncset.done $0x0  }
0x32: {  	s12 =	simm.s32 $0x8380;
	[sflag:s31] =	ssyncadd.s32 $0xFFFFFF80  }
0x33: {  	s14 =	simm.s32 $0x10;
	s13 =	simm.s32 $0x0;
	s15 =	simm.s32 $0x0;
	v0 =	vld [tilespmem:$0xF480]  }
0x34: {  	s6 =	sadd.s32 $0x12000, s5;
	s7 =	sadd.s32 $0x11800, s5;
	s4 =	sadd.s32 $0x11E00, s5;
	v2 =	vld [tilespmem:$0xF500]  }
0x35: {  	v3 =	vlaneseq.u32;
	v1 =	vimm.s32 $0x0;
	s2 =	sadd.s32 $0x11A00, s5;
	s3 =	sadd.s32 $0x11C00, s5;
	s5 =	sadd.s32 $0x12200, s5;
	v4 =	vld [tilespmem:s9+$0x0]  }
.LBB2_1:
0x36: {  	p0 =	sne.s32 s14, $0x12B0;
	v5 =	vld [tilespmem:s10+$0xFFFFA240];
	_ =	sdelay $0x1  }
0x37: {  	s16 =	sadd.s32 s9, s11  }
0x38: {  	v6 =	vor.u32 s16, v3  }
0x39: {  	vm1 =	vle.s32 v6, v2;
	vm0 =	veq.s32 v4, v0  }
0x3a: {  	vm2 =	vgt.s32 v4, v0;
	vm0 =	vmand vm1, vm0  }
0x3b: {  	vm0 =	vmor vm2, vm0  }
0x3c: {  	v4 =	vsel vm0, $0x1, v1  }
0x3d: {  	(xrf0) =	vadd.scan.msk.s32 $0xffff, v4;
	_ =	sdelay $0x5  }
0x3e: {  	v4, _, _ =	vpop (xrf0)  }
0x3f: {  	v6 =	vadd.s32 s13, v4;
	(v2sf) =	vpush v4, $0xF  }
0x40: {  	v4 =	vadd.s32 $0xFFFFFFFF, v6;
	v7 =	vadd.s32 $0x12CF, v6;
	v8 =	vadd.s32 $0x259F, v6  }
0x41: {  	v9 =	vadd.s32 $0x386F, v6;
	v10 =	vadd.s32 $0x4B3F, v6;
	v6 =	vadd.s32 $0x5E0F, v6;
	_ =	sdelay $0x3  }
0x42: {  	[tilespmem:v4+s12+$0x0] =	vst.idx.msk vm0, v5  }
0x43: {  	v4 =	vld [tilespmem:s10+$0xFFFFB500];
	_ =	sdelay $0x4  }
0x44: {  	s16 =	sand.u32 $0x1FF0, s9;
	s9 =	smov.u32 s14;
	[tilespmem:v7+s12+$0x0] =	vst.idx.msk vm0, v4  }
0x45: {  	v4 =	vld [tilespmem:s16+$0x3880];
	_ =	sdelay $0x1  }
0x46: {  	s17 =	spop (v2sf)  }
0x47: {  	s13 =	sadd.s32 s13, s17;
	_ =	sdelay $0x1  }
0x48: {  	[tilespmem:v8+s12+$0x0] =	vst.idx.msk vm0, v4  }
0x49: {  	v4 =	vld [tilespmem:s10+$0xFFFFDA80];
	_ =	sdelay $0x4  }
0x4a: {  	[tilespmem:v9+s12+$0x0] =	vst.idx.msk vm0, v4  }
0x4b: {  	v4 =	vld [tilespmem:s16+$0x5E00];
	_ =	sdelay $0x4  }
0x4c: {  	[tilespmem:v10+s12+$0x0] =	vst.idx.msk vm0, v4  }
0x4d: {  	v4 =	vld [tilespmem:s10+$0x0];
	_ =	sdelay $0x1  }
.Ltmp0:
0x4e: {  	(pc) =	sbr.rel @p0 .LBB2_1-.Ltmp0, $3  }
0x4f: {  	_ =	sdelay $0x1  }
0x50: {  	s15 =	sadd.s32 $0x10, s15;
	[tilespmem:v6+s12+$0x0] =	vst.idx.msk vm0, v4  }
0x51: {  	s14 =	sadd.s32 $0x10, s14;
	s10 =	sadd.s32 $0x10, s10;
	v4 =	vld [tilespmem:s15+$0x0]  }
0x52: {  	_ =	sdelay $0x1  }
0x53: {  	s11 =	sadd.s32 s9, s11  }
0x54: {  	v3 =	vor.u32 s11, v3  }
0x55: {  	vm1 =	vle.s32 v3, v2;
	vm0 =	veq.s32 v4, v0  }
0x56: {  	vm2 =	vgt.s32 v4, v0;
	vm0 =	vmand vm1, vm0  }
0x57: {  	vm0 =	vmor vm2, vm0  }
0x58: {  	v0 =	vsel vm0, $0x1, v1  }
0x59: {  	(xrf0) =	vadd.scan.msk.s32 $0xffff, v0;
	_ =	sdelay $0x5  }
0x5a: {  	v0, _, _ =	vpop (xrf0)  }
0x5b: {  	v1 =	vadd.s32 s13, v0  }
0x5c: {  	v2 =	vld [tilespmem:s10+$0xFFFFA240];
	v3 =	vadd.s32 $0xFFFFFFFF, v1;
	_ =	sdelay $0x4  }
0x5d: {  	[tilespmem:v3+s12+$0x0] =	vst.idx.msk vm0, v2  }
0x5e: {  	v2 =	vadd.s32 $0x12CF, v1;
	v3 =	vld [tilespmem:s10+$0xFFFFB500];
	_ =	sdelay $0x4  }
0x5f: {  	s22 =	sand.u32 $0x1FF0, s9;
	[tilespmem:v2+s12+$0x0] =	vst.idx.msk vm0, v3  }
0x60: {  	v2 =	vadd.s32 $0x259F, v1;
	v3 =	vld [tilespmem:s22+$0x3880];
	_ =	sdelay $0x4  }
0x61: {  	[tilespmem:v2+s12+$0x0] =	vst.idx.msk vm0, v3  }
0x62: {  	(v2sf) =	vpush v0, $0xF;
	v0 =	vadd.s32 $0x386F, v1;
	v2 =	vld [tilespmem:s10+$0xFFFFDA80];
	_ =	sdelay $0x4  }
0x63: {  	[tilespmem:v0+s12+$0x0] =	vst.idx.msk vm0, v2  }
0x64: {  	v0 =	vadd.s32 $0x4B3F, v1;
	v2 =	vld [tilespmem:s22+$0x5E00];
	_ =	sdelay $0x4  }
0x65: {  	[tilespmem:v0+s12+$0x0] =	vst.idx.msk vm0, v2  }
0x66: {  	v0 =	vadd.s32 $0x5E0F, v1;
	v1 =	vld [tilespmem:s10+$0x0];
	_ =	sdelay $0x2  }
0x67: {  	s23 =	spop (v2sf)  }
0x68: {  	s24 =	sadd.s32 s13, s23  }
0x69: {  	s25 =	sshll.u32 s0, $0x4;
	[tilespmem:v0+s12+$0x0] =	vst.idx.msk vm0, v1;
	v0 =	vmov s24  }
0x6a: {  	s26 =	simm.s32 $0xF580;
	s9 =	sadd.s32 s25, s8;
	[tilespmem:$0xF580] =	vst v0  }
0x6b: {  	[spmem:s9] =	stream.linear.scatter [tilespmem:s26], [sflag:$0x2], $0x10, $0x38;
	[tilespmem:$0xF710] =	vst v63  }
0x6c: {  	s9 =	simm.s32 $0x2  }
0x6d: {  	s28 =	simm.s32 $0xF600;
	s29 =	sadd.s32 $0xF, s24;
	_ =	swait.ge [sflag:s9], $0x10  }
0x6e: {  	s30 =	sshra.s32 s29, $0x1F;
	s10 =	sand.u32 $0xF, s29;
	[sflag:s9] =	ssyncset.done $0x0  }
0x6f: {  	p0 =	slt.s32 s29, $0x1;
	p1 =	sne.s32 s10, $0x0;
	[sflag:s9] =	ssyncadd.s32 $0xFFFFFFF0  }
0x70: {  	s31 =	sshrl.u32 s30, $0x1C;
	p0 =	por !p0, !p1;
	[bflag:$0x0] =	sbarrier.arrive $0xFFFF  }
0x71: {  	[tilespmem:s28], [sflag:$0x2] =	stream.linear.gather [spmem:s8], $0x100, $0x38;
	[tilespmem:$0xF710] =	vst v63  }
0x72: {  	s10 =	simm.s32 $0x1;
	p0 =	por !p0, !p0;
	s8 =	sadd.s32 s31, s29  }
0x73: {  	s10 =	simm.s32 @!p0 $0x0;
	s8 =	sshra.s32 s8, $0x4  }
0x74: {  	s10 =	ssub.s32 s8, s10  }
0x75: {  	p0 =	slt.s32 s10, $0x1  }
.Ltmp1:
0x76: {  	_ = 	snop;
	(pc) =	sbr.rel @p0 .LBB2_6-.Ltmp1, $4  }
0x77: {  	_ = 	snop  }
0x78: {  	_ =	swait.ge [sflag:s9], $0x100  }
0x79: {  	[sflag:s9] =	ssyncset.done $0x0  }
0x7a: {  	[sflag:s9] =	ssyncadd.s32 $0xFFFFFF00  }
0x7b: {  	v1 =	vld [tilespmem:$0xF600]  }
0x7c: {  	v2 =	vld [tilespmem:$0xF610]  }
0x7d: {  	v3 =	vld [tilespmem:$0xF620]  }
0x7e: {  	v4 =	vld [tilespmem:$0xF630]  }
0x7f: {  	v5 =	vld [tilespmem:$0xF640]  }
0x80: {  	p0 =	seq.s32 s0, $0x0;
	p1 =	sgt.u32 s0, $0x1;
	v6 =	vld [tilespmem:$0xF650]  }
0x81: {  	p6 =	sgt.u32 s0, $0x2;
	v7 =	vld [tilespmem:$0xF660];
	v1 =	vpsel p0, $0x0, v1;
	v2 =	vpsel !p1, $0x0, v2  }
0x82: {  	v3 =	vpsel !p6, $0x0, v3;
	p1 =	sgt.u32 s0, $0x3;
	v1 =	vadd.s32 v1, v2;
	v2 =	vld [tilespmem:$0xF670]  }
0x83: {  	p2 =	sgt.u32 s0, $0x4;
	v4 =	vpsel !p1, $0x0, v4;
	v1 =	vadd.s32 v3, v1;
	v3 =	vld [tilespmem:$0xF680]  }
0x84: {  	p3 =	sgt.u32 s0, $0x5;
	v5 =	vpsel !p2, $0x0, v5;
	v1 =	vadd.s32 v4, v1;
	v4 =	vld [tilespmem:$0xF690]  }
0x85: {  	p4 =	sgt.u32 s0, $0x6;
	v6 =	vpsel !p3, $0x0, v6;
	v1 =	vadd.s32 v5, v1;
	v5 =	vld [tilespmem:$0xF6A0]  }
0x86: {  	p5 =	sgt.u32 s0, $0x7;
	v7 =	vpsel !p4, $0x0, v7;
	v1 =	vadd.s32 v6, v1;
	v6 =	vld [tilespmem:$0xF6B0]  }
0x87: {  	p6 =	sgt.u32 s0, $0x8;
	v2 =	vpsel !p5, $0x0, v2;
	v1 =	vadd.s32 v7, v1;
	v7 =	vld [tilespmem:$0xF6C0]  }
0x88: {  	p1 =	sgt.u32 s0, $0x9;
	v3 =	vpsel !p6, $0x0, v3;
	v1 =	vadd.s32 v2, v1;
	v2 =	vld [tilespmem:$0xF6D0]  }
0x89: {  	p2 =	sgt.u32 s0, $0xA;
	v4 =	vpsel !p1, $0x0, v4;
	v1 =	vadd.s32 v3, v1;
	v3 =	vld [tilespmem:$0xF6E0]  }
0x8a: {  	p3 =	sgt.u32 s0, $0xB;
	v1 =	vadd.s32 v4, v1;
	v4 =	vpsel !p2, $0x0, v5  }
0x8b: {  	p4 =	sgt.u32 s0, $0xC;
	v1 =	vadd.s32 v4, v1;
	v4 =	vpsel !p3, $0x0, v6  }
0x8c: {  	p5 =	sgt.u32 s0, $0xD;
	v1 =	vadd.s32 v4, v1;
	v4 =	vpsel !p4, $0x0, v7  }
0x8d: {  	p6 =	seq.s32 s0, $0xF;
	v2 =	vpsel !p5, $0x0, v2;
	v1 =	vadd.s32 v4, v1  }
0x8e: {  	s8 =	simm.s32 $0x0;
	v2 =	vadd.s32 v2, v1;
	v3 =	vpsel !p6, $0x0, v3;
	v1 =	vlaneseq.u32  }
0x8f: {  	v2 =	vadd.s32 v3, v2;
	v4 =	vor.u32 s8, v1  }
0x90: {  	v3 =	vadd.s32 $0x3E8, v1;
	vm0 =	vlt.s32 v4, v0;
	v4 =	vadd.s32 v4, v2  }
0x91: {  	v4 =	vsel vm0, v4, v3;
	_ =	sdelay $0x3  }
0x92: {  	s11 =	simm.s32 $0x8380;
	vm0 =	vmmov $0xffff  }
0x93: {  	[hbm4b:s2+s8] =	stream.indirect_vreg.scatter [tilespmem:s11], [sflag:$0x2], $0x1, v4, vm0, $0xb8;
	[tilespmem:$0xF710] =	vst v63  }
0x94: {  	_ =	swait.ge [sflag:s9], $0x10  }
0x95: {  	[sflag:s9] =	ssyncset.done $0x0  }
0x96: {  	s28 =	simm.s32 $0x9650;
	[sflag:s9] =	ssyncadd.s32 $0xFFFFFFF0  }
0x97: {  	[hbm4b:s3+s8] =	stream.indirect_vreg.scatter [tilespmem:s28], [sflag:$0x2], $0x1, v4, vm0, $0xb8;
	[tilespmem:$0xF710] =	vst v63  }
0x98: {  	_ =	swait.ge [sflag:s9], $0x10  }
0x99: {  	[sflag:s9] =	ssyncset.done $0x0  }
0x9a: {  	s29 =	simm.s32 $0xA920;
	[sflag:s9] =	ssyncadd.s32 $0xFFFFFFF0  }
0x9b: {  	[hbm4b:s4+s8] =	stream.indirect_vreg.scatter [tilespmem:s29], [sflag:$0x2], $0x1, v4, vm0, $0xb8;
	[tilespmem:$0xF710] =	vst v63  }
0x9c: {  	_ =	swait.ge [sflag:s9], $0x10  }
0x9d: {  	[sflag:s9] =	ssyncset.done $0x0  }
0x9e: {  	s30 =	simm.s32 $0xBBF0;
	p0 =	sne.s32 s10, $0x1;
	[sflag:s9] =	ssyncadd.s32 $0xFFFFFFF0  }
0x9f: {  	[hbm4b:s6+s8] =	stream.indirect_vreg.scatter [tilespmem:s30], [sflag:$0x2], $0x1, v4, vm0, $0xb8;
	[tilespmem:$0xF710] =	vst v63  }
.Ltmp2:
0xa0: {  	_ =	swait.ge [sflag:s9], $0x10;
	(pc) =	sbr.rel @!p0 .LBB2_5-.Ltmp2, $4  }
0xa1: {  	[sflag:s9] =	ssyncset.done $0x0  }
0xa2: {  	s31 =	simm.s32 $0xCEC0;
	s12 =	simm.s32 $0x10;
	[sflag:s9] =	ssyncadd.s32 $0xFFFFFFF0  }
0xa3: {  	[hbm4b:s7+s8] =	stream.indirect_vreg.scatter [tilespmem:s31], [sflag:$0x2], $0x1, v4, vm0, $0xb8;
	[tilespmem:$0xF710] =	vst v63  }
0xa4: {  	s10 =	sadd.s32 $0xFFFFFFFF, s10;
	s11 =	simm.s32 $0xE190;
	_ =	swait.ge [sflag:s9], $0x10  }
.LBB2_4:
0xa5: {  	v5 =	vor.u32 s12, v1;
	p0 =	sne.s32 s10, $0x1;
	s10 =	sadd.s32 $0xFFFFFFFF, s10  }
0xa6: {  	vm1 =	vlt.s32 v5, v0;
	v5 =	vadd.s32 v5, v2;
	[sflag:s9] =	ssyncset.done $0x0  }
0xa7: {  	v5 =	vsel vm1, v5, v3;
	[sflag:s9] =	ssyncadd.s32 $0xFFFFFFF0  }
0xa8: {  	[hbm4b:s5+s8] =	stream.indirect_vreg.scatter [tilespmem:s11], [sflag:$0x2], $0x1, v4, vm0, $0xb8;
	v4 =	vmov v5;
	[tilespmem:$0xF710] =	vst v63  }
0xa9: {  	_ =	swait.ge [sflag:s9], $0x10  }
0xaa: {  	s11 =	sadd.s32 $0x10, s11;
	[sflag:s9] =	ssyncset.done $0x0  }
0xab: {  	s13 =	sadd.s32 $0xFFFFA1F0, s11;
	[sflag:s9] =	ssyncadd.s32 $0xFFFFFFF0  }
0xac: {  	[hbm4b:s2+s8] =	stream.indirect_vreg.scatter [tilespmem:s13], [sflag:$0x2], $0x1, v5, vm0, $0xb8;
	[tilespmem:$0xF710] =	vst v63  }
0xad: {  	_ =	swait.ge [sflag:s9], $0x10  }
0xae: {  	[sflag:s9] =	ssyncset.done $0x0  }
0xaf: {  	s13 =	sadd.s32 $0xFFFFB4C0, s11;
	[sflag:s9] =	ssyncadd.s32 $0xFFFFFFF0  }
0xb0: {  	[hbm4b:s3+s8] =	stream.indirect_vreg.scatter [tilespmem:s13], [sflag:$0x2], $0x1, v5, vm0, $0xb8;
	[tilespmem:$0xF710] =	vst v63  }
0xb1: {  	_ =	swait.ge [sflag:s9], $0x10  }
0xb2: {  	[sflag:s9] =	ssyncset.done $0x0  }
0xb3: {  	s13 =	sadd.s32 $0xFFFFC790, s11;
	[sflag:s9] =	ssyncadd.s32 $0xFFFFFFF0  }
0xb4: {  	[hbm4b:s4+s8] =	stream.indirect_vreg.scatter [tilespmem:s13], [sflag:$0x2], $0x1, v5, vm0, $0xb8;
	[tilespmem:$0xF710] =	vst v63  }
0xb5: {  	_ =	swait.ge [sflag:s9], $0x10  }
0xb6: {  	[sflag:s9] =	ssyncset.done $0x0  }
0xb7: {  	s13 =	sadd.s32 $0xFFFFDA60, s11;
	[sflag:s9] =	ssyncadd.s32 $0xFFFFFFF0  }
0xb8: {  	[hbm4b:s6+s8] =	stream.indirect_vreg.scatter [tilespmem:s13], [sflag:$0x2], $0x1, v5, vm0, $0xb8;
	[tilespmem:$0xF710] =	vst v63  }
.Ltmp3:
0xb9: {  	_ =	swait.ge [sflag:s9], $0x10;
	(pc) =	sbr.rel @p0 .LBB2_4-.Ltmp3, $4  }
0xba: {  	[sflag:s9] =	ssyncset.done $0x0  }
0xbb: {  	s13 =	sadd.s32 $0xFFFFED30, s11;
	[sflag:s9] =	ssyncadd.s32 $0xFFFFFFF0  }
0xbc: {  	[hbm4b:s7+s8] =	stream.indirect_vreg.scatter [tilespmem:s13], [sflag:$0x2], $0x1, v5, vm0, $0xb8;
	[tilespmem:$0xF710] =	vst v63  }
0xbd: {  	s12 =	sadd.s32 $0x10, s12;
	_ =	swait.ge [sflag:s9], $0x10  }
.LBB2_5:
0xbe: {  	_ =	sdelay $0x1  }
0xbf: {  	[sflag:s9] =	ssyncset.done $0x0  }
0xc0: {  	[sflag:s9] =	ssyncadd.s32 $0xFFFFFFF0  }
0xc1: {  	[hbm4b:s5+s8] =	stream.indirect_vreg.scatter [tilespmem:s11], [sflag:$0x2], $0x1, v4, vm0, $0xb8;
	[tilespmem:$0xF710] =	vst v63  }
0xc2: {  	_ =	swait.ge [sflag:s9], $0x10  }
0xc3: {  	[sflag:s9] =	ssyncset.done $0x0  }
0xc4: {  	[sflag:s9] =	ssyncadd.s32 $0xFFFFFFF0  }
.LBB2_6:
0xc5: {  	_ =	sfence.sel $0x180000  }
0xc6: {  	[bflag:$0x0] =	sbarrier.arrive $0xFFFF  }
0xc7: {  	p0 =	sne.s32 s0, $0x0;
	_ =	strace $0x90000047  }
0xc8: {  	s0 =	sadd.s32 @!p0 $0x100000, s1;
	[bflag:$0x2] =	sbarrier.arrive $0xFFFF  }
0xc9: {  	[sflag:s0] =	ssyncadd.tile.s32 @!p0 $0x1;
	_ =	shalt  }
.Lfunc_end2:
_tile_overlayer_lowered:
.L_overlay_start_2:
0xca: {  	(tag) =	ssettag $0x2  }
0xcb: {  	s0 =	rddreg [dreg:$0x0];
	s2 =	stileid.u32  }
0xcc: {  	s1 =	rddreg [dreg:$0x1];
	p0 =	sne.s32 s2, $0x0  }
0xcd: {  	s3 =	rddreg [dreg:$0x2];
	[bflag:$0x3] =	sbarrier.arrive $0xFFFF;
	s2 =	simm.s32 @!p0 $0x1C02  }
0xce: {  	[timem:s3], [sflag:s2] =	dma.local @!p0 [hbm:s0], s1  }
0xcf: {  	s0 =	simm.s32 @!p0 $0x2  }
0xd0: {  	_ =	swait.ge @!p0 [sflag:s0], s1  }
0xd1: {  	s1 =	ssub.s32 @!p0 $0x0, s1;
	[sflag:s0] =	ssyncset.done @!p0 $0x0  }
0xd2: {  	[sflag:s0] =	ssyncadd.s32 @!p0 s1  }
0xd3: {  	[bflag:$0x3] =	sbarrier.arrive $0xFFFF  }
0xd4: {  	_ =	shalt  }

</sc_bundles>
